<compile_context>
chip_gen: v7x
topology: tpu7x:2x2x1
jax: 0.10.2.dev20260603
libtpu: 0.0.44.dev20260713+nightly
codegen_flags: <defaults>
</compile_context>

<pallas_src>
import functools

import jax
import jax.numpy as jnp
from jax import lax
from jax.experimental import pallas as pl
from jax.experimental.pallas import tpu as pltpu
from jax.experimental.pallas import tpu_sc as plsc

N = 10000
E = 320000
D = 128

NC = 2
NS = 16
NW = NC * NS

NP = 10240
EP = NW * NP
C = 128
KPT = NP // C
EPT = NP

HL = 16

_mesh = plsc.VectorSubcoreMesh(core_axis_name="c", subcore_axis_name="s")


def _sc_hist(edge_index):
  HCHUNK = E // C
  TILE_CHUNKS = -(-HCHUNK // NW)

  @functools.partial(
      pl.kernel,
      mesh=_mesh,
      out_type=jax.ShapeDtypeStruct((NC, NP, HL), jnp.float32),
      scratch_types=[
          pltpu.VMEM((C,), jnp.int32),
          pltpu.VMEM((C, HL), jnp.float32),
          pltpu.VMEM_SHARED((NP, HL), jnp.float32),
      ],
  )
  def hist_kernel(ei_hbm, out_hbm, idx_v, ones_v, hist_sh):
    c = lax.axis_index("c")
    s = lax.axis_index("s")
    w = c * NS + s

    @pl.loop(0, C)
    def _(r):
      ones_v[r, pl.ds(0, HL)] = jnp.zeros((HL,), jnp.float32)

    rpt = NP // NS

    @pl.loop(0, rpt // C)
    def _(i):
      pltpu.sync_copy(ones_v, hist_sh.at[pl.ds(s * rpt + i * C, C)])

    @pl.loop(0, C)
    def _(r):
      ones_v[r, pl.ds(0, HL)] = jnp.full((HL,), 1.0, jnp.float32)

    plsc.subcore_barrier()

    @pl.loop(0, TILE_CHUNKS)
    def _(k):
      g = k * NW + w

      @pl.when(g < HCHUNK)
      def _():
        pltpu.sync_copy(ei_hbm.at[1, pl.ds(g * C, C)], idx_v)
        pltpu.sync_copy(ones_v, hist_sh.at[idx_v], add=True)

    plsc.subcore_barrier()

    pltpu.sync_copy(hist_sh.at[pl.ds(s * rpt, rpt)],
                    out_hbm.at[c, pl.ds(s * rpt, rpt)])

  return hist_kernel(edge_index)


def _sc_scatter(hp, eipk):

  @functools.partial(
      pl.kernel,
      mesh=_mesh,
      out_type=jax.ShapeDtypeStruct((NC, NP, D), jnp.float32),
      scratch_types=[
          pltpu.VMEM((EPT,), jnp.int32),
          pltpu.VMEM((C,), jnp.int32),
          pltpu.VMEM((C,), jnp.int32),
          pltpu.VMEM((C,), jnp.int32),
          pltpu.VMEM((C,), jnp.int32),
          pltpu.VMEM((C, D), jnp.float32),
          pltpu.VMEM((C, D), jnp.float32),
          pltpu.SemaphoreType.DMA,
          pltpu.SemaphoreType.DMA,
          pltpu.VMEM_SHARED((NP, D), jnp.float32),
      ],
  )
  def scat_kernel(hp_hbm, eipk_hbm, out_hbm, pk_v, src_a, src_b, dst_a,
                  dst_b, rows_a, rows_b, sem_a, sem_b, acc_sh):
    c = lax.axis_index("c")
    s = lax.axis_index("s")
    w = c * NS + s

    pltpu.sync_copy(eipk_hbm.at[w], pk_v)

    @pl.loop(0, C)
    def _(r):
      @pl.loop(0, D, step=16)
      def _(j):
        rows_a[r, pl.ds(j, 16)] = jnp.zeros((16,), jnp.float32)

    rpt = NP // NS

    @pl.loop(0, rpt // C)
    def _(i):
      pltpu.sync_copy(rows_a, acc_sh.at[pl.ds(s * rpt + i * C, C)])

    plsc.subcore_barrier()

    def _unpack(k, sbuf, dbuf):
      @pl.loop(0, C, step=16)
      def _(j):
        v = pk_v[pl.ds(k * C + j, 16)]
        sbuf[pl.ds(j, 16)] = v & 0xFFFF
        dbuf[pl.ds(j, 16)] = lax.shift_right_logical(v, 16)

    def _gather(sbuf, buf, sem):
      return pltpu.async_copy(hp_hbm.at[sbuf], buf, sem)

    def _gather_wait(sbuf, buf, sem):
      pltpu.make_async_copy(hp_hbm.at[sbuf], buf, sem).wait()

    def _scatter(buf, dbuf):
      pltpu.sync_copy(buf, acc_sh.at[dbuf], add=True)

    _unpack(0, src_a, dst_a)
    _gather(src_a, rows_a, sem_a)

    @pl.loop(0, KPT - 2, step=2)
    def _(k):
      _unpack(k + 1, src_b, dst_b)
      _gather(src_b, rows_b, sem_b)
      _gather_wait(src_a, rows_a, sem_a)
      _scatter(rows_a, dst_a)
      _unpack(k + 2, src_a, dst_a)
      _gather(src_a, rows_a, sem_a)
      _gather_wait(src_b, rows_b, sem_b)
      _scatter(rows_b, dst_b)

    _unpack(KPT - 1, src_b, dst_b)
    _gather(src_b, rows_b, sem_b)
    _gather_wait(src_a, rows_a, sem_a)
    _scatter(rows_a, dst_a)
    _gather_wait(src_b, rows_b, sem_b)
    _scatter(rows_b, dst_b)

    plsc.subcore_barrier()

    pltpu.sync_copy(acc_sh.at[pl.ds(s * rpt, rpt)],
                    out_hbm.at[c, pl.ds(s * rpt, rpt)])

  return scat_kernel(hp, eipk)


def _tc_mm(x, w):
  def body(x_ref, w_ref, o_ref):
    o_ref[...] = jnp.dot(x_ref[...], w_ref[...],
                         preferred_element_type=jnp.float32)

  return pl.pallas_call(
      body, out_shape=jax.ShapeDtypeStruct((x.shape[0], w.shape[1]),
                                           jnp.float32))(x, w)


def _tc_scale(h1, hist_t):

  def body(h_ref, hist_ref, hp_ref, dinv_ref):
    deg = hist_ref[:, 0:1] + hist_ref[:, 1:2] + 1.0
    dinv = lax.rsqrt(deg)
    dinv_ref[...] = dinv
    hp_ref[...] = h_ref[...] * dinv

  return pl.pallas_call(
      body,
      out_shape=[
          jax.ShapeDtypeStruct((N, D), jnp.float32),
          jax.ShapeDtypeStruct((N, 1), jnp.float32),
      ])(h1, hist_t)


def _tc_mid(s1, h1p, dinv, b1, gamma, beta, w2):

  def body(s_ref, h1p_ref, dinv_ref, b1_ref, g_ref, be_ref, w2_ref, o_ref):
    ssum = (s_ref[0] + s_ref[1])[:N]
    h = jax.nn.relu((ssum + h1p_ref[...]) * dinv_ref[...] + b1_ref[...])
    mean = jnp.mean(h, axis=0, keepdims=True)
    var = jnp.mean((h - mean) ** 2, axis=0, keepdims=True)
    hbn = (h - mean) * lax.rsqrt(var + 1e-5) * g_ref[...] + be_ref[...]
    h2 = jnp.dot(hbn, w2_ref[...], preferred_element_type=jnp.float32)
    o_ref[...] = h2 * dinv_ref[...]

  return pl.pallas_call(
      body, out_shape=jax.ShapeDtypeStruct((N, D), jnp.float32))(
          s1, h1p, dinv, b1, gamma, beta, w2)


def _tc_final(s2, h2p, dinv, b2, wfc, bfc):
  def body(s_ref, h2p_ref, dinv_ref, b2_ref, wfc_ref, bfc_ref, o_ref):
    ssum = (s_ref[0] + s_ref[1])[:N]
    h = jax.nn.relu((ssum + h2p_ref[...]) * dinv_ref[...] + b2_ref[...])
    o = jnp.dot(h, wfc_ref[...], preferred_element_type=jnp.float32)
    o_ref[...] = jax.nn.sigmoid(o + bfc_ref[...])

  return pl.pallas_call(
      body, out_shape=jax.ShapeDtypeStruct((N, 1), jnp.float32))(
          s2, h2p, dinv, b2, wfc, bfc)


def kernel(x, edge_index, W1, b1, gamma, beta, W2, b2, Wfc, bfc):
  npad = EP - E
  pad_src = (jnp.arange(npad, dtype=jnp.int32) * 131) % N
  pad_dst = N + (jnp.arange(npad, dtype=jnp.int32) % (NP - N))
  pad_pk = pad_src | (pad_dst << 16)
  eipk = jnp.concatenate(
      [edge_index[0] | (edge_index[1] << 16), pad_pk]).reshape(NW, EPT)

  hist = _sc_hist(edge_index)
  h1 = _tc_mm(x, W1)
  hist_t = hist[:, :N, 0].T
  h1p, dinv = _tc_scale(h1, hist_t)
  s1 = _sc_scatter(h1p, eipk)
  h2p = _tc_mid(s1, h1p, dinv, b1.reshape(1, D), gamma.reshape(1, D),
                beta.reshape(1, D), W2)
  s2 = _sc_scatter(h2p, eipk)
  return _tc_final(s2, h2p, dinv, b2.reshape(1, D), Wfc, bfc.reshape(1, 1))

# --- scband reference (transcript-rebuilt; emitter-appended) ---
"""Pipeline reference for scband-gnnfraud-model-61443802137132 (READ-ONLY COPY).

The authoritative reference and input builder live on the scoring server;
editing this copy changes nothing except your own understanding.
"""

import jax, jax.numpy as jnp
import numpy as np

N = 10000
E = 320000
D = 128
H = 128
O = 1


def setup_inputs(seed: int = 0) -> dict:
    key = jax.random.key(seed)
    ks = jax.random.split(key, 12)
    x = jax.random.normal(ks[0], (N, D), dtype=jnp.float32)
    edge_index = jax.random.randint(ks[1], (2, E), 0, N, dtype=jnp.int32)
    W1 = jax.random.normal(ks[2], (D, H), dtype=jnp.float32) * (1.0 / np.sqrt(D))
    b1 = jnp.zeros((H,), dtype=jnp.float32)
    gamma = jnp.ones((H,), dtype=jnp.float32)
    beta = jnp.zeros((H,), dtype=jnp.float32)
    W2 = jax.random.normal(ks[3], (H, H), dtype=jnp.float32) * (1.0 / np.sqrt(H))
    b2 = jnp.zeros((H,), dtype=jnp.float32)
    Wfc = jax.random.normal(ks[4], (H, O), dtype=jnp.float32) * (1.0 / np.sqrt(H))
    bfc = jnp.zeros((O,), dtype=jnp.float32)
    return {"x": x, "edge_index": edge_index, "W1": W1, "b1": b1,
            "gamma": gamma, "beta": beta, "W2": W2, "b2": b2,
            "Wfc": Wfc, "bfc": bfc}


def _gcn_conv(x, edge_index, W, b):
    # GCNConv: linear transform, add self-loops, symmetric normalization, sum-aggregate
    n = x.shape[0]
    loop = jnp.arange(n, dtype=edge_index.dtype)
    src = jnp.concatenate([edge_index[0], loop])
    dst = jnp.concatenate([edge_index[1], loop])
    h = x @ W
    deg = jnp.zeros((n,), dtype=x.dtype).at[dst].add(1.0)
    dinv = 1.0 / jnp.sqrt(deg)
    norm = dinv[src] * dinv[dst]
    msg = h[src] * norm[:, None]
    out = jax.ops.segment_sum(msg, dst, num_segments=n)
    return out + b


def reference(x, edge_index, W1, b1, gamma, beta, W2, b2, Wfc, bfc):
    h = jax.nn.relu(_gcn_conv(x, edge_index, W1, b1))
    # BatchNorm1d (training-mode batch statistics, biased variance), N > 1
    mean = jnp.mean(h, axis=0)
    var = jnp.mean((h - mean) ** 2, axis=0)
    h = (h - mean) / jnp.sqrt(var + 1e-5) * gamma + beta
    h = jax.nn.relu(_gcn_conv(h, edge_index, W2, b2))
    # dropout(0.5) treated as identity (eval) for deterministic reference
    out = h @ Wfc + bfc
    return jax.nn.sigmoid(out)

if __name__ == "__main__":
    import jax
    _d = setup_inputs()
    print(jax.jit(kernel)(*tuple(_d.values())))

</pallas_src>

<mosaic_0001>
#map = affine_map<(d0, d1) -> (0, 0)>
#map1 = affine_map<(d0, d1) -> (0, 0, 0)>
module attributes {stable_mosaic.version = 14 : i64} {
  func.func @hist_kernel(%arg0: i32, %arg1: i32, %arg2: memref<2x320000xi32, #tpu.memory_space<hbm>>, %arg3: memref<2x10240x16xf32, #tpu.memory_space<hbm>>, %arg4: memref<128xi32, #tpu.memory_space<vmem>>, %arg5: memref<128x16xf32, #tpu.memory_space<vmem>>, %arg6: memref<10240x16xf32, #tpu.memory_space<vmem_shared>>) attributes {dimension_semantics = [#tpu.dimension_semantics<core_parallel>, #tpu.dimension_semantics<subcore_parallel>], iteration_bounds = array<i64: 2, 16>, scalar_prefetch = 0 : i64, scratch_operands = 3 : i64, tpu.core_type = #tpu.core_type<sc_vector_subcore>, window_params = [{transform_indices = #map}, {transform_indices = #map1}]} {
    %mul3A = arith.constant 16 : i32
    %mul3A_0 = arith.muli %arg0, %mul3A : i32
    %add3A = arith.addi %mul3A_0, %arg1 : i32
    %scan3A = arith.constant 0 : i32
    %scan3A_1 = arith.constant 128 : i32
    %scan3A_2 = arith.addi %scan3A, %scan3A_1 : i32
    %scan3A_3 = arith.constant 1 : i32
    scf.for %scan3A_25 = %scan3A to %scan3A_2 step %scan3A_3  : i32 {
      %mul3A_26 = arith.constant 1 : i32
      %mul3A_27 = arith.muli %scan3A_25, %mul3A_26 : i32
      %add3A_28 = arith.constant 0 : i32
      %add3A_29 = arith.addi %add3A_28, %mul3A_27 : i32
      %broadcast_in_dim3A = arith.constant 0.000000e+00 : f32
      %broadcast_in_dim3A_30 = vector.broadcast %broadcast_in_dim3A : f32 to vector<16xf32>
      %swap3A = arith.index_cast %add3A_29 : i32 to index
      %swap3A_31 = arith.constant 0 : index
      %swap3A_32 = tpu.vector_load %arg5[%swap3A, %swap3A_31] {strides = array<i32>} : memref<128x16xf32, #tpu.memory_space<vmem>>, vector<1x16xf32>,
      %swap3A_33 = vector.shape_cast %swap3A_32 : vector<1x16xf32> to vector<16xf32>
      %swap3A_34 = vector.shape_cast %broadcast_in_dim3A_30 : vector<16xf32> to vector<1x16xf32>
      tpu.vector_store %arg5[%swap3A, %swap3A_31], %swap3A_34 {strides = array<i32>} : memref<128x16xf32, #tpu.memory_space<vmem>>, vector<1x16xf32>,
    }
    %scan3A_4 = arith.constant 128 : i32
    %scan3A_5 = arith.constant 0 : i32
    %scan3A_6 = arith.constant 5 : i32
    %scan3A_7 = arith.addi %scan3A_5, %scan3A_6 : i32
    %scan3A_8 = arith.constant 1 : i32
    scf.for %scan3A_25 = %scan3A_5 to %scan3A_7 step %scan3A_8  : i32 {
      %mul3A_26 = arith.constant 1 : i32
      %mul3A_27 = arith.muli %scan3A_25, %mul3A_26 : i32
      %add3A_28 = arith.constant 0 : i32
      %add3A_29 = arith.addi %add3A_28, %mul3A_27 : i32
      %mul3A_30 = arith.constant 640 : i32
      %mul3A_31 = arith.muli %arg1, %mul3A_30 : i32
      %mul3A_32 = arith.constant 128 : i32
      %mul3A_33 = arith.muli %add3A_29, %mul3A_32 : i32
      %add3A_34 = arith.addi %mul3A_31, %mul3A_33 : i32
      "tpu.region"() ({
        %run_scoped3A = tpu.sem_alloc : memref<!tpu.dma_semaphore, #tpu.memory_space<semaphore_mem>>
        %dma_start3A = arith.constant 0 : i32
        %dma_start3A_35 = tpu.memref_slice %arg6[%add3A_34, %dma_start3A] : memref<10240x16xf32, #tpu.memory_space<vmem_shared>> -> memref<128x16xf32, #tpu.memory_space<vmem_shared>>
        %dma_start3A_36 = arith.constant 0 : i32
        %dma_start3A_37 = tpu.memref_slice %arg6[%add3A_34, %dma_start3A_36] : memref<10240x16xf32, #tpu.memory_space<vmem_shared>> -> memref<128x16xf32, #tpu.memory_space<vmem_shared>>
        tpu.enqueue_dma source(%arg5 : memref<128x16xf32, #tpu.memory_space<vmem>>) target(%dma_start3A_37 : memref<128x16xf32, #tpu.memory_space<vmem_shared>>) target_semaphore(%run_scoped3A : memref<!tpu.dma_semaphore, #tpu.memory_space<semaphore_mem>>)
        %dma_wait3A = arith.constant 0 : i32
        %dma_wait3A_38 = tpu.memref_slice %arg6[%add3A_34, %dma_wait3A] : memref<10240x16xf32, #tpu.memory_space<vmem_shared>> -> memref<128x16xf32, #tpu.memory_space<vmem_shared>>
        %dma_wait3A_39 = arith.constant 0 : i32
        %dma_wait3A_40 = tpu.memref_slice %arg6[%add3A_34, %dma_wait3A_39] : memref<10240x16xf32, #tpu.memory_space<vmem_shared>> -> memref<128x16xf32, #tpu.memory_space<vmem_shared>>
        tpu.wait_dma2 semaphore(%run_scoped3A : memref<!tpu.dma_semaphore, #tpu.memory_space<semaphore_mem>>) src(%arg5 : memref<128x16xf32, #tpu.memory_space<vmem>>) dst(%dma_wait3A_40 : memref<128x16xf32, #tpu.memory_space<vmem_shared>>)
        tpu.yield
      }) : () -> ()
    }
    %scan3A_9 = arith.constant 5 : i32
    %scan3A_10 = arith.constant 0 : i32
    %scan3A_11 = arith.constant 128 : i32
    %scan3A_12 = arith.addi %scan3A_10, %scan3A_11 : i32
    %scan3A_13 = arith.constant 1 : i32
    scf.for %scan3A_25 = %scan3A_10 to %scan3A_12 step %scan3A_13  : i32 {
      %mul3A_26 = arith.constant 1 : i32
      %mul3A_27 = arith.muli %scan3A_25, %mul3A_26 : i32
      %add3A_28 = arith.constant 0 : i32
      %add3A_29 = arith.addi %add3A_28, %mul3A_27 : i32
      %broadcast_in_dim3A = arith.constant 1.000000e+00 : f32
      %broadcast_in_dim3A_30 = vector.broadcast %broadcast_in_dim3A : f32 to vector<16xf32>
      %swap3A = arith.index_cast %add3A_29 : i32 to index
      %swap3A_31 = arith.constant 0 : index
      %swap3A_32 = tpu.vector_load %arg5[%swap3A, %swap3A_31] {strides = array<i32>} : memref<128x16xf32, #tpu.memory_space<vmem>>, vector<1x16xf32>,
      %swap3A_33 = vector.shape_cast %swap3A_32 : vector<1x16xf32> to vector<16xf32>
      %swap3A_34 = vector.shape_cast %broadcast_in_dim3A_30 : vector<16xf32> to vector<1x16xf32>
      tpu.vector_store %arg5[%swap3A, %swap3A_31], %swap3A_34 {strides = array<i32>} : memref<128x16xf32, #tpu.memory_space<vmem>>, vector<1x16xf32>,
    }
    %scan3A_14 = arith.constant 128 : i32
    %barrier3A = arith.constant 0 : index
    tpu.barrier barrier_id(%barrier3A)
    %scan3A_15 = arith.constant 0 : i32
    %scan3A_16 = arith.constant 79 : i32
    %scan3A_17 = arith.addi %scan3A_15, %scan3A_16 : i32
    %scan3A_18 = arith.constant 1 : i32
    scf.for %scan3A_25 = %scan3A_15 to %scan3A_17 step %scan3A_18  : i32 {
      %mul3A_26 = arith.constant 1 : i32
      %mul3A_27 = arith.muli %scan3A_25, %mul3A_26 : i32
      %add3A_28 = arith.constant 0 : i32
      %add3A_29 = arith.addi %add3A_28, %mul3A_27 : i32
      %mul3A_30 = arith.constant 32 : i32
      %mul3A_31 = arith.muli %add3A_29, %mul3A_30 : i32
      %add3A_32 = arith.addi %mul3A_31, %add3A : i32
      %lt3A = arith.constant 2500 : i32
      %lt3A_33 = arith.cmpi slt, %add3A_32, %lt3A : i32
      %convert_element_type3A = arith.extui %lt3A_33 : i1 to i32
      %cond3A = arith.constant 0 : i32
      %cond3A_34 = arith.cmpi ne, %convert_element_type3A, %cond3A : i32
      scf.if %cond3A_34 {
        %mul3A_35 = arith.constant 128 : i32
        %mul3A_36 = arith.muli %add3A_32, %mul3A_35 : i32
        %run_scoped3A = arith.constant 1 : i32
        "tpu.region"() ({
          %run_scoped3A_37 = tpu.sem_alloc : memref<!tpu.dma_semaphore, #tpu.memory_space<semaphore_mem>>
          %dma_start3A = tpu.memref_slice %arg2[%run_scoped3A, %mul3A_36] : memref<2x320000xi32, #tpu.memory_space<hbm>> -> memref<1x128xi32, #tpu.memory_space<hbm>>
          %dma_start3A_38 = tpu.memref_squeeze %dma_start3A : memref<1x128xi32, #tpu.memory_space<hbm>> -> memref<128xi32, #tpu.memory_space<hbm>>
          %dma_start3A_39 = tpu.memref_slice %arg2[%run_scoped3A, %mul3A_36] : memref<2x320000xi32, #tpu.memory_space<hbm>> -> memref<1x128xi32, #tpu.memory_space<hbm>>
          %dma_start3A_40 = tpu.memref_squeeze %dma_start3A_39 : memref<1x128xi32, #tpu.memory_space<hbm>> -> memref<128xi32, #tpu.memory_space<hbm>>
          tpu.enqueue_dma source(%dma_start3A_40 : memref<128xi32, #tpu.memory_space<hbm>>) target(%arg4 : memref<128xi32, #tpu.memory_space<vmem>>) target_semaphore(%run_scoped3A_37 : memref<!tpu.dma_semaphore, #tpu.memory_space<semaphore_mem>>)
          %dma_wait3A = tpu.memref_slice %arg2[%run_scoped3A, %mul3A_36] : memref<2x320000xi32, #tpu.memory_space<hbm>> -> memref<1x128xi32, #tpu.memory_space<hbm>>
          %dma_wait3A_41 = tpu.memref_squeeze %dma_wait3A : memref<1x128xi32, #tpu.memory_space<hbm>> -> memref<128xi32, #tpu.memory_space<hbm>>
          %dma_wait3A_42 = tpu.memref_slice %arg2[%run_scoped3A, %mul3A_36] : memref<2x320000xi32, #tpu.memory_space<hbm>> -> memref<1x128xi32, #tpu.memory_space<hbm>>
          %dma_wait3A_43 = tpu.memref_squeeze %dma_wait3A_42 : memref<1x128xi32, #tpu.memory_space<hbm>> -> memref<128xi32, #tpu.memory_space<hbm>>
          tpu.wait_dma2 semaphore(%run_scoped3A_37 : memref<!tpu.dma_semaphore, #tpu.memory_space<semaphore_mem>>) src(%dma_wait3A_43 : memref<128xi32, #tpu.memory_space<hbm>>) dst(%arg4 : memref<128xi32, #tpu.memory_space<vmem>>)
          tpu.yield
        }) : () -> ()
        "tpu.region"() ({
          %run_scoped3A_37 = tpu.sem_alloc : memref<!tpu.dma_semaphore, #tpu.memory_space<semaphore_mem>>
          %dma_start3A = arith.constant 0 : i32
          %dma_start3A_38 = arith.constant 0 : i32
          %dma_start3A_39 = tpu.memref_slice %arg6[%dma_start3A, %dma_start3A_38] : memref<10240x16xf32, #tpu.memory_space<vmem_shared>> -> memref<10240x16xf32, #tpu.memory_space<vmem_shared>>
          tpu.enqueue_indirect_dma source(%arg5 : memref<128x16xf32, #tpu.memory_space<vmem>>) target(%dma_start3A_39 : memref<10240x16xf32, #tpu.memory_space<vmem_shared>>) offsets(%arg4 : memref<128xi32, #tpu.memory_space<vmem>>) semaphore(%run_scoped3A_37 : memref<!tpu.dma_semaphore, #tpu.memory_space<semaphore_mem>>) {add = true}
          %dma_wait3A = arith.constant 0 : i32
          %dma_wait3A_40 = arith.constant 0 : i32
          %dma_wait3A_41 = tpu.memref_slice %arg6[%dma_wait3A, %dma_wait3A_40] : memref<10240x16xf32, #tpu.memory_space<vmem_shared>> -> memref<10240x16xf32, #tpu.memory_space<vmem_shared>>
          tpu.wait_indirect_dma semaphore(%run_scoped3A_37 : memref<!tpu.dma_semaphore, #tpu.memory_space<semaphore_mem>>) src(%arg5 : memref<128x16xf32, #tpu.memory_space<vmem>>) dst(%dma_wait3A_41 : memref<10240x16xf32, #tpu.memory_space<vmem_shared>>)
          tpu.yield
        }) : () -> ()
      } else {
      }
    }
    %scan3A_19 = arith.constant 79 : i32
    %barrier3A_20 = arith.constant 0 : index
    tpu.barrier barrier_id(%barrier3A_20)
    %mul3A_21 = arith.constant 640 : i32
    %mul3A_22 = arith.muli %arg1, %mul3A_21 : i32
    %mul3A_23 = arith.constant 640 : i32
    %mul3A_24 = arith.muli %arg1, %mul3A_23 : i32
    "tpu.region"() ({
      %run_scoped3A = tpu.sem_alloc : memref<!tpu.dma_semaphore, #tpu.memory_space<semaphore_mem>>
      %dma_start3A = arith.constant 0 : i32
      %dma_start3A_25 = tpu.memref_slice %arg3[%arg0, %mul3A_24, %dma_start3A] : memref<2x10240x16xf32, #tpu.memory_space<hbm>> -> memref<1x640x16xf32, #tpu.memory_space<hbm>>
      %dma_start3A_26 = tpu.memref_squeeze %dma_start3A_25 : memref<1x640x16xf32, #tpu.memory_space<hbm>> -> memref<640x16xf32, #tpu.memory_space<hbm>>
      %dma_start3A_27 = arith.constant 0 : i32
      %dma_start3A_28 = tpu.memref_slice %arg6[%mul3A_22, %dma_start3A_27] : memref<10240x16xf32, #tpu.memory_space<vmem_shared>> -> memref<640x16xf32, #tpu.memory_space<vmem_shared>>
      tpu.enqueue_dma source(%dma_start3A_28 : memref<640x16xf32, #tpu.memory_space<vmem_shared>>) target(%dma_start3A_26 : memref<640x16xf32, #tpu.memory_space<hbm>>) target_semaphore(%run_scoped3A : memref<!tpu.dma_semaphore, #tpu.memory_space<semaphore_mem>>)
      %dma_wait3A = arith.constant 0 : i32
      %dma_wait3A_29 = tpu.memref_slice %arg3[%arg0, %mul3A_24, %dma_wait3A] : memref<2x10240x16xf32, #tpu.memory_space<hbm>> -> memref<1x640x16xf32, #tpu.memory_space<hbm>>
      %dma_wait3A_30 = tpu.memref_squeeze %dma_wait3A_29 : memref<1x640x16xf32, #tpu.memory_space<hbm>> -> memref<640x16xf32, #tpu.memory_space<hbm>>
      %dma_wait3A_31 = arith.constant 0 : i32
      %dma_wait3A_32 = tpu.memref_slice %arg6[%mul3A_22, %dma_wait3A_31] : memref<10240x16xf32, #tpu.memory_space<vmem_shared>> -> memref<640x16xf32, #tpu.memory_space<vmem_shared>>
      tpu.wait_dma2 semaphore(%run_scoped3A : memref<!tpu.dma_semaphore, #tpu.memory_space<semaphore_mem>>) src(%dma_wait3A_32 : memref<640x16xf32, #tpu.memory_space<vmem_shared>>) dst(%dma_wait3A_30 : memref<640x16xf32, #tpu.memory_space<hbm>>)
      tpu.yield
    }) : () -> ()
    return
  }
}

#map = affine_map<(d0, d1) -> (0, 0)>
#map1 = affine_map<(d0, d1) -> (0, 0, 0)>
module attributes {stable_mosaic.version = 14 : i64} {
  func.func @scat_kernel(%arg0: i32, %arg1: i32, %arg2: memref<10000x128xf32, #tpu.memory_space<hbm>>, %arg3: memref<32x10240xi32, #tpu.memory_space<hbm>>, %arg4: memref<2x10240x128xf32, #tpu.memory_space<hbm>>, %arg5: memref<10240xi32, #tpu.memory_space<vmem>>, %arg6: memref<128xi32, #tpu.memory_space<vmem>>, %arg7: memref<128xi32, #tpu.memory_space<vmem>>, %arg8: memref<128xi32, #tpu.memory_space<vmem>>, %arg9: memref<128xi32, #tpu.memory_space<vmem>>, %arg10: memref<128x128xf32, #tpu.memory_space<vmem>>, %arg11: memref<128x128xf32, #tpu.memory_space<vmem>>, %arg12: memref<!tpu.dma_semaphore, #tpu.memory_space<semaphore_mem>>, %arg13: memref<!tpu.dma_semaphore, #tpu.memory_space<semaphore_mem>>, %arg14: memref<10240x128xf32, #tpu.memory_space<vmem_shared>>) attributes {dimension_semantics = [#tpu.dimension_semantics<core_parallel>, #tpu.dimension_semantics<subcore_parallel>], iteration_bounds = array<i64: 2, 16>, scalar_prefetch = 0 : i64, scratch_operands = 10 : i64, tpu.core_type = #tpu.core_type<sc_vector_subcore>, window_params = [{transform_indices = #map}, {transform_indices = #map}, {transform_indices = #map1}]} {
    %mul3A = arith.constant 16 : i32
    %mul3A_0 = arith.muli %arg0, %mul3A : i32
    %add3A = arith.addi %mul3A_0, %arg1 : i32
    "tpu.region"() ({
      %run_scoped3A = tpu.sem_alloc : memref<!tpu.dma_semaphore, #tpu.memory_space<semaphore_mem>>
      %dma_start3A_40 = arith.constant 0 : i32
      %dma_start3A_41 = tpu.memref_slice %arg3[%add3A, %dma_start3A_40] : memref<32x10240xi32, #tpu.memory_space<hbm>> -> memref<1x10240xi32, #tpu.memory_space<hbm>>
      %dma_start3A_42 = tpu.memref_squeeze %dma_start3A_41 : memref<1x10240xi32, #tpu.memory_space<hbm>> -> memref<10240xi32, #tpu.memory_space<hbm>>
      %dma_start3A_43 = arith.constant 0 : i32
      %dma_start3A_44 = tpu.memref_slice %arg3[%add3A, %dma_start3A_43] : memref<32x10240xi32, #tpu.memory_space<hbm>> -> memref<1x10240xi32, #tpu.memory_space<hbm>>
      %dma_start3A_45 = tpu.memref_squeeze %dma_start3A_44 : memref<1x10240xi32, #tpu.memory_space<hbm>> -> memref<10240xi32, #tpu.memory_space<hbm>>
      tpu.enqueue_dma source(%dma_start3A_45 : memref<10240xi32, #tpu.memory_space<hbm>>) target(%arg5 : memref<10240xi32, #tpu.memory_space<vmem>>) target_semaphore(%run_scoped3A : memref<!tpu.dma_semaphore, #tpu.memory_space<semaphore_mem>>)
      %dma_wait3A_46 = arith.constant 0 : i32
      %dma_wait3A_47 = tpu.memref_slice %arg3[%add3A, %dma_wait3A_46] : memref<32x10240xi32, #tpu.memory_space<hbm>> -> memref<1x10240xi32, #tpu.memory_space<hbm>>
      %dma_wait3A_48 = tpu.memref_squeeze %dma_wait3A_47 : memref<1x10240xi32, #tpu.memory_space<hbm>> -> memref<10240xi32, #tpu.memory_space<hbm>>
      %dma_wait3A_49 = arith.constant 0 : i32
      %dma_wait3A_50 = tpu.memref_slice %arg3[%add3A, %dma_wait3A_49] : memref<32x10240xi32, #tpu.memory_space<hbm>> -> memref<1x10240xi32, #tpu.memory_space<hbm>>
      %dma_wait3A_51 = tpu.memref_squeeze %dma_wait3A_50 : memref<1x10240xi32, #tpu.memory_space<hbm>> -> memref<10240xi32, #tpu.memory_space<hbm>>
      tpu.wait_dma2 semaphore(%run_scoped3A : memref<!tpu.dma_semaphore, #tpu.memory_space<semaphore_mem>>) src(%dma_wait3A_51 : memref<10240xi32, #tpu.memory_space<hbm>>) dst(%arg5 : memref<10240xi32, #tpu.memory_space<vmem>>)
      tpu.yield
    }) : () -> ()
    %scan3A = arith.constant 0 : i32
    %scan3A_1 = arith.constant 128 : i32
    %scan3A_2 = arith.addi %scan3A, %scan3A_1 : i32
    %scan3A_3 = arith.constant 1 : i32
    scf.for %scan3A_40 = %scan3A to %scan3A_2 step %scan3A_3  : i32 {
      %mul3A_41 = arith.constant 1 : i32
      %mul3A_42 = arith.muli %scan3A_40, %mul3A_41 : i32
      %add3A_43 = arith.constant 0 : i32
      %add3A_44 = arith.addi %add3A_43, %mul3A_42 : i32
      %scan3A_45 = arith.constant 0 : i32
      %scan3A_46 = arith.constant 8 : i32
      %scan3A_47 = arith.addi %scan3A_45, %scan3A_46 : i32
      %scan3A_48 = arith.constant 1 : i32
      scf.for %scan3A_50 = %scan3A_45 to %scan3A_47 step %scan3A_48  : i32 {
        %mul3A_51 = arith.constant 16 : i32
        %mul3A_52 = arith.muli %scan3A_50, %mul3A_51 : i32
        %add3A_53 = arith.constant 0 : i32
        %add3A_54 = arith.addi %add3A_53, %mul3A_52 : i32
        %broadcast_in_dim3A = arith.constant 0.000000e+00 : f32
        %broadcast_in_dim3A_55 = vector.broadcast %broadcast_in_dim3A : f32 to vector<16xf32>
        %swap3A = arith.index_cast %add3A_44 : i32 to index
        %swap3A_56 = arith.index_cast %add3A_54 : i32 to index
        %swap3A_57 = tpu.vector_load %arg10[%swap3A, %swap3A_56] {strides = array<i32>} : memref<128x128xf32, #tpu.memory_space<vmem>>, vector<1x16xf32>,
        %swap3A_58 = vector.shape_cast %swap3A_57 : vector<1x16xf32> to vector<16xf32>
        %swap3A_59 = vector.shape_cast %broadcast_in_dim3A_55 : vector<16xf32> to vector<1x16xf32>
        tpu.vector_store %arg10[%swap3A, %swap3A_56], %swap3A_59 {strides = array<i32>} : memref<128x128xf32, #tpu.memory_space<vmem>>, vector<1x16xf32>,
      }
      %scan3A_49 = arith.constant 8 : i32
    }
    %scan3A_4 = arith.constant 128 : i32
    %scan3A_5 = arith.constant 0 : i32
    %scan3A_6 = arith.constant 5 : i32
    %scan3A_7 = arith.addi %scan3A_5, %scan3A_6 : i32
    %scan3A_8 = arith.constant 1 : i32
    scf.for %scan3A_40 = %scan3A_5 to %scan3A_7 step %scan3A_8  : i32 {
      %mul3A_41 = arith.constant 1 : i32
      %mul3A_42 = arith.muli %scan3A_40, %mul3A_41 : i32
      %add3A_43 = arith.constant 0 : i32
      %add3A_44 = arith.addi %add3A_43, %mul3A_42 : i32
      %mul3A_45 = arith.constant 640 : i32
      %mul3A_46 = arith.muli %arg1, %mul3A_45 : i32
      %mul3A_47 = arith.constant 128 : i32
      %mul3A_48 = arith.muli %add3A_44, %mul3A_47 : i32
      %add3A_49 = arith.addi %mul3A_46, %mul3A_48 : i32
      "tpu.region"() ({
        %run_scoped3A = tpu.sem_alloc : memref<!tpu.dma_semaphore, #tpu.memory_space<semaphore_mem>>
        %dma_start3A_50 = arith.constant 0 : i32
        %dma_start3A_51 = tpu.memref_slice %arg14[%add3A_49, %dma_start3A_50] : memref<10240x128xf32, #tpu.memory_space<vmem_shared>> -> memref<128x128xf32, #tpu.memory_space<vmem_shared>>
        %dma_start3A_52 = arith.constant 0 : i32
        %dma_start3A_53 = tpu.memref_slice %arg14[%add3A_49, %dma_start3A_52] : memref<10240x128xf32, #tpu.memory_space<vmem_shared>> -> memref<128x128xf32, #tpu.memory_space<vmem_shared>>
        tpu.enqueue_dma source(%arg10 : memref<128x128xf32, #tpu.memory_space<vmem>>) target(%dma_start3A_53 : memref<128x128xf32, #tpu.memory_space<vmem_shared>>) target_semaphore(%run_scoped3A : memref<!tpu.dma_semaphore, #tpu.memory_space<semaphore_mem>>)
        %dma_wait3A_54 = arith.constant 0 : i32
        %dma_wait3A_55 = tpu.memref_slice %arg14[%add3A_49, %dma_wait3A_54] : memref<10240x128xf32, #tpu.memory_space<vmem_shared>> -> memref<128x128xf32, #tpu.memory_space<vmem_shared>>
        %dma_wait3A_56 = arith.constant 0 : i32
        %dma_wait3A_57 = tpu.memref_slice %arg14[%add3A_49, %dma_wait3A_56] : memref<10240x128xf32, #tpu.memory_space<vmem_shared>> -> memref<128x128xf32, #tpu.memory_space<vmem_shared>>
        tpu.wait_dma2 semaphore(%run_scoped3A : memref<!tpu.dma_semaphore, #tpu.memory_space<semaphore_mem>>) src(%arg10 : memref<128x128xf32, #tpu.memory_space<vmem>>) dst(%dma_wait3A_57 : memref<128x128xf32, #tpu.memory_space<vmem_shared>>)
        tpu.yield
      }) : () -> ()
    }
    %scan3A_9 = arith.constant 5 : i32
    %barrier3A = arith.constant 0 : index
    tpu.barrier barrier_id(%barrier3A)
    %scan3A_10 = arith.constant 0 : i32
    %scan3A_11 = arith.constant 8 : i32
    %scan3A_12 = arith.addi %scan3A_10, %scan3A_11 : i32
    %scan3A_13 = arith.constant 1 : i32
    scf.for %scan3A_40 = %scan3A_10 to %scan3A_12 step %scan3A_13  : i32 {
      %mul3A_41 = arith.constant 16 : i32
      %mul3A_42 = arith.muli %scan3A_40, %mul3A_41 : i32
      %add3A_43 = arith.constant 0 : i32
      %add3A_44 = arith.addi %add3A_43, %mul3A_42 : i32
      %add3A_45 = arith.constant 0 : i32
      %add3A_46 = arith.addi %add3A_45, %add3A_44 : i32
      %get3A = arith.index_cast %add3A_46 : i32 to index
      %get3A_47 = tpu.vector_load %arg5[%get3A] {strides = array<i32>} : memref<10240xi32, #tpu.memory_space<vmem>>, vector<16xi32>,
      %get3A_48 = vector.shape_cast %get3A_47 : vector<16xi32> to vector<16xi32>
      %and3A = arith.constant 65535 : i32
      %and3A_49 = vector.broadcast %and3A : i32 to vector<16xi32>
      %and3A_50 = arith.andi %get3A_48, %and3A_49 : vector<16xi32>
      %swap3A = arith.index_cast %add3A_44 : i32 to index
      %swap3A_51 = tpu.vector_load %arg6[%swap3A] {strides = array<i32>} : memref<128xi32, #tpu.memory_space<vmem>>, vector<16xi32>,
      %swap3A_52 = vector.shape_cast %swap3A_51 : vector<16xi32> to vector<16xi32>
      %swap3A_53 = vector.shape_cast %and3A_50 : vector<16xi32> to vector<16xi32>
      tpu.vector_store %arg6[%swap3A], %swap3A_53 {strides = array<i32>} : memref<128xi32, #tpu.memory_space<vmem>>, vector<16xi32>,
      %shift_right_logical3A = arith.constant 16 : i32
      %shift_right_logical3A_54 = vector.broadcast %shift_right_logical3A : i32 to vector<16xi32>
      %shift_right_logical3A_55 = arith.shrui %get3A_48, %shift_right_logical3A_54 : vector<16xi32>
      %swap3A_56 = arith.index_cast %add3A_44 : i32 to index
      %swap3A_57 = tpu.vector_load %arg8[%swap3A_56] {strides = array<i32>} : memref<128xi32, #tpu.memory_space<vmem>>, vector<16xi32>,
      %swap3A_58 = vector.shape_cast %swap3A_57 : vector<16xi32> to vector<16xi32>
      %swap3A_59 = vector.shape_cast %shift_right_logical3A_55 : vector<16xi32> to vector<16xi32>
      tpu.vector_store %arg8[%swap3A_56], %swap3A_59 {strides = array<i32>} : memref<128xi32, #tpu.memory_space<vmem>>, vector<16xi32>,
    }
    %scan3A_14 = arith.constant 8 : i32
    %dma_start3A = arith.constant 0 : i32
    %dma_start3A_15 = arith.constant 0 : i32
    %dma_start3A_16 = tpu.memref_slice %arg2[%dma_start3A, %dma_start3A_15] : memref<10000x128xf32, #tpu.memory_space<hbm>> -> memref<10000x128xf32, #tpu.memory_space<hbm>>
    tpu.enqueue_indirect_dma source(%dma_start3A_16 : memref<10000x128xf32, #tpu.memory_space<hbm>>) target(%arg10 : memref<128x128xf32, #tpu.memory_space<vmem>>) offsets(%arg6 : memref<128xi32, #tpu.memory_space<vmem>>) semaphore(%arg12 : memref<!tpu.dma_semaphore, #tpu.memory_space<semaphore_mem>>)
    %scan3A_17 = arith.constant 0 : i32
    %scan3A_18 = arith.constant 39 : i32
    %scan3A_19 = arith.addi %scan3A_17, %scan3A_18 : i32
    %scan3A_20 = arith.constant 1 : i32
    scf.for %scan3A_40 = %scan3A_17 to %scan3A_19 step %scan3A_20  : i32 {
      %mul3A_41 = arith.constant 2 : i32
      %mul3A_42 = arith.muli %scan3A_40, %mul3A_41 : i32
      %add3A_43 = arith.constant 0 : i32
      %add3A_44 = arith.addi %add3A_43, %mul3A_42 : i32
      %add3A_45 = arith.constant 1 : i32
      %add3A_46 = arith.addi %add3A_44, %add3A_45 : i32
      %scan3A_47 = arith.constant 0 : i32
      %scan3A_48 = arith.constant 8 : i32
      %scan3A_49 = arith.addi %scan3A_47, %scan3A_48 : i32
      %scan3A_50 = arith.constant 1 : i32
      scf.for %scan3A_71 = %scan3A_47 to %scan3A_49 step %scan3A_50  : i32 {
        %mul3A_72 = arith.constant 16 : i32
        %mul3A_73 = arith.muli %scan3A_71, %mul3A_72 : i32
        %add3A_74 = arith.constant 0 : i32
        %add3A_75 = arith.addi %add3A_74, %mul3A_73 : i32
        %mul3A_76 = arith.constant 128 : i32
        %mul3A_77 = arith.muli %add3A_46, %mul3A_76 : i32
        %add3A_78 = arith.addi %mul3A_77, %add3A_75 : i32
        %get3A = arith.index_cast %add3A_78 : i32 to index
        %get3A_79 = tpu.vector_load %arg5[%get3A] {strides = array<i32>} : memref<10240xi32, #tpu.memory_space<vmem>>, vector<16xi32>,
        %get3A_80 = vector.shape_cast %get3A_79 : vector<16xi32> to vector<16xi32>
        %and3A = arith.constant 65535 : i32
        %and3A_81 = vector.broadcast %and3A : i32 to vector<16xi32>
        %and3A_82 = arith.andi %get3A_80, %and3A_81 : vector<16xi32>
        %swap3A = arith.index_cast %add3A_75 : i32 to index
        %swap3A_83 = tpu.vector_load %arg7[%swap3A] {strides = array<i32>} : memref<128xi32, #tpu.memory_space<vmem>>, vector<16xi32>,
        %swap3A_84 = vector.shape_cast %swap3A_83 : vector<16xi32> to vector<16xi32>
        %swap3A_85 = vector.shape_cast %and3A_82 : vector<16xi32> to vector<16xi32>
        tpu.vector_store %arg7[%swap3A], %swap3A_85 {strides = array<i32>} : memref<128xi32, #tpu.memory_space<vmem>>, vector<16xi32>,
        %shift_right_logical3A = arith.constant 16 : i32
        %shift_right_logical3A_86 = vector.broadcast %shift_right_logical3A : i32 to vector<16xi32>
        %shift_right_logical3A_87 = arith.shrui %get3A_80, %shift_right_logical3A_86 : vector<16xi32>
        %swap3A_88 = arith.index_cast %add3A_75 : i32 to index
        %swap3A_89 = tpu.vector_load %arg9[%swap3A_88] {strides = array<i32>} : memref<128xi32, #tpu.memory_space<vmem>>, vector<16xi32>,
        %swap3A_90 = vector.shape_cast %swap3A_89 : vector<16xi32> to vector<16xi32>
        %swap3A_91 = vector.shape_cast %shift_right_logical3A_87 : vector<16xi32> to vector<16xi32>
        tpu.vector_store %arg9[%swap3A_88], %swap3A_91 {strides = array<i32>} : memref<128xi32, #tpu.memory_space<vmem>>, vector<16xi32>,
      }
      %scan3A_51 = arith.constant 8 : i32
      %dma_start3A_52 = arith.constant 0 : i32
      %dma_start3A_53 = arith.constant 0 : i32
      %dma_start3A_54 = tpu.memref_slice %arg2[%dma_start3A_52, %dma_start3A_53] : memref<10000x128xf32, #tpu.memory_space<hbm>> -> memref<10000x128xf32, #tpu.memory_space<hbm>>
      tpu.enqueue_indirect_dma source(%dma_start3A_54 : memref<10000x128xf32, #tpu.memory_space<hbm>>) target(%arg11 : memref<128x128xf32, #tpu.memory_space<vmem>>) offsets(%arg7 : memref<128xi32, #tpu.memory_space<vmem>>) semaphore(%arg13 : memref<!tpu.dma_semaphore, #tpu.memory_space<semaphore_mem>>)
      %dma_wait3A_55 = arith.constant 0 : i32
      %dma_wait3A_56 = arith.constant 0 : i32
      %dma_wait3A_57 = tpu.memref_slice %arg2[%dma_wait3A_55, %dma_wait3A_56] : memref<10000x128xf32, #tpu.memory_space<hbm>> -> memref<10000x128xf32, #tpu.memory_space<hbm>>
      tpu.wait_indirect_dma semaphore(%arg12 : memref<!tpu.dma_semaphore, #tpu.memory_space<semaphore_mem>>) src(%dma_wait3A_57 : memref<10000x128xf32, #tpu.memory_space<hbm>>) dst(%arg10 : memref<128x128xf32, #tpu.memory_space<vmem>>)
      "tpu.region"() ({
        %run_scoped3A = tpu.sem_alloc : memref<!tpu.dma_semaphore, #tpu.memory_space<semaphore_mem>>
        %dma_start3A_71 = arith.constant 0 : i32
        %dma_start3A_72 = arith.constant 0 : i32
        %dma_start3A_73 = tpu.memref_slice %arg14[%dma_start3A_71, %dma_start3A_72] : memref<10240x128xf32, #tpu.memory_space<vmem_shared>> -> memref<10240x128xf32, #tpu.memory_space<vmem_shared>>
        tpu.enqueue_indirect_dma source(%arg10 : memref<128x128xf32, #tpu.memory_space<vmem>>) target(%dma_start3A_73 : memref<10240x128xf32, #tpu.memory_space<vmem_shared>>) offsets(%arg8 : memref<128xi32, #tpu.memory_space<vmem>>) semaphore(%run_scoped3A : memref<!tpu.dma_semaphore, #tpu.memory_space<semaphore_mem>>) {add = true}
        %dma_wait3A_74 = arith.constant 0 : i32
        %dma_wait3A_75 = arith.constant 0 : i32
        %dma_wait3A_76 = tpu.memref_slice %arg14[%dma_wait3A_74, %dma_wait3A_75] : memref<10240x128xf32, #tpu.memory_space<vmem_shared>> -> memref<10240x128xf32, #tpu.memory_space<vmem_shared>>
        tpu.wait_indirect_dma semaphore(%run_scoped3A : memref<!tpu.dma_semaphore, #tpu.memory_space<semaphore_mem>>) src(%arg10 : memref<128x128xf32, #tpu.memory_space<vmem>>) dst(%dma_wait3A_76 : memref<10240x128xf32, #tpu.memory_space<vmem_shared>>)
        tpu.yield
      }) : () -> ()
      %add3A_58 = arith.constant 2 : i32
      %add3A_59 = arith.addi %add3A_44, %add3A_58 : i32
      %scan3A_60 = arith.constant 0 : i32
      %scan3A_61 = arith.constant 8 : i32
      %scan3A_62 = arith.addi %scan3A_60, %scan3A_61 : i32
      %scan3A_63 = arith.constant 1 : i32
      scf.for %scan3A_71 = %scan3A_60 to %scan3A_62 step %scan3A_63  : i32 {
        %mul3A_72 = arith.constant 16 : i32
        %mul3A_73 = arith.muli %scan3A_71, %mul3A_72 : i32
        %add3A_74 = arith.constant 0 : i32
        %add3A_75 = arith.addi %add3A_74, %mul3A_73 : i32
        %mul3A_76 = arith.constant 128 : i32
        %mul3A_77 = arith.muli %add3A_59, %mul3A_76 : i32
        %add3A_78 = arith.addi %mul3A_77, %add3A_75 : i32
        %get3A = arith.index_cast %add3A_78 : i32 to index
        %get3A_79 = tpu.vector_load %arg5[%get3A] {strides = array<i32>} : memref<10240xi32, #tpu.memory_space<vmem>>, vector<16xi32>,
        %get3A_80 = vector.shape_cast %get3A_79 : vector<16xi32> to vector<16xi32>
        %and3A = arith.constant 65535 : i32
        %and3A_81 = vector.broadcast %and3A : i32 to vector<16xi32>
        %and3A_82 = arith.andi %get3A_80, %and3A_81 : vector<16xi32>
        %swap3A = arith.index_cast %add3A_75 : i32 to index
        %swap3A_83 = tpu.vector_load %arg6[%swap3A] {strides = array<i32>} : memref<128xi32, #tpu.memory_space<vmem>>, vector<16xi32>,
        %swap3A_84 = vector.shape_cast %swap3A_83 : vector<16xi32> to vector<16xi32>
        %swap3A_85 = vector.shape_cast %and3A_82 : vector<16xi32> to vector<16xi32>
        tpu.vector_store %arg6[%swap3A], %swap3A_85 {strides = array<i32>} : memref<128xi32, #tpu.memory_space<vmem>>, vector<16xi32>,
        %shift_right_logical3A = arith.constant 16 : i32
        %shift_right_logical3A_86 = vector.broadcast %shift_right_logical3A : i32 to vector<16xi32>
        %shift_right_logical3A_87 = arith.shrui %get3A_80, %shift_right_logical3A_86 : vector<16xi32>
        %swap3A_88 = arith.index_cast %add3A_75 : i32 to index
        %swap3A_89 = tpu.vector_load %arg8[%swap3A_88] {strides = array<i32>} : memref<128xi32, #tpu.memory_space<vmem>>, vector<16xi32>,
        %swap3A_90 = vector.shape_cast %swap3A_89 : vector<16xi32> to vector<16xi32>
        %swap3A_91 = vector.shape_cast %shift_right_logical3A_87 : vector<16xi32> to vector<16xi32>
        tpu.vector_store %arg8[%swap3A_88], %swap3A_91 {strides = array<i32>} : memref<128xi32, #tpu.memory_space<vmem>>, vector<16xi32>,
      }
      %scan3A_64 = arith.constant 8 : i32
      %dma_start3A_65 = arith.constant 0 : i32
      %dma_start3A_66 = arith.constant 0 : i32
      %dma_start3A_67 = tpu.memref_slice %arg2[%dma_start3A_65, %dma_start3A_66] : memref<10000x128xf32, #tpu.memory_space<hbm>> -> memref<10000x128xf32, #tpu.memory_space<hbm>>
      tpu.enqueue_indirect_dma source(%dma_start3A_67 : memref<10000x128xf32, #tpu.memory_space<hbm>>) target(%arg10 : memref<128x128xf32, #tpu.memory_space<vmem>>) offsets(%arg6 : memref<128xi32, #tpu.memory_space<vmem>>) semaphore(%arg12 : memref<!tpu.dma_semaphore, #tpu.memory_space<semaphore_mem>>)
      %dma_wait3A_68 = arith.constant 0 : i32
      %dma_wait3A_69 = arith.constant 0 : i32
      %dma_wait3A_70 = tpu.memref_slice %arg2[%dma_wait3A_68, %dma_wait3A_69] : memref<10000x128xf32, #tpu.memory_space<hbm>> -> memref<10000x128xf32, #tpu.memory_space<hbm>>
      tpu.wait_indirect_dma semaphore(%arg13 : memref<!tpu.dma_semaphore, #tpu.memory_space<semaphore_mem>>) src(%dma_wait3A_70 : memref<10000x128xf32, #tpu.memory_space<hbm>>) dst(%arg11 : memref<128x128xf32, #tpu.memory_space<vmem>>)
      "tpu.region"() ({
        %run_scoped3A = tpu.sem_alloc : memref<!tpu.dma_semaphore, #tpu.memory_space<semaphore_mem>>
        %dma_start3A_71 = arith.constant 0 : i32
        %dma_start3A_72 = arith.constant 0 : i32
        %dma_start3A_73 = tpu.memref_slice %arg14[%dma_start3A_71, %dma_start3A_72] : memref<10240x128xf32, #tpu.memory_space<vmem_shared>> -> memref<10240x128xf32, #tpu.memory_space<vmem_shared>>
        tpu.enqueue_indirect_dma source(%arg11 : memref<128x128xf32, #tpu.memory_space<vmem>>) target(%dma_start3A_73 : memref<10240x128xf32, #tpu.memory_space<vmem_shared>>) offsets(%arg9 : memref<128xi32, #tpu.memory_space<vmem>>) semaphore(%run_scoped3A : memref<!tpu.dma_semaphore, #tpu.memory_space<semaphore_mem>>) {add = true}
        %dma_wait3A_74 = arith.constant 0 : i32
        %dma_wait3A_75 = arith.constant 0 : i32
        %dma_wait3A_76 = tpu.memref_slice %arg14[%dma_wait3A_74, %dma_wait3A_75] : memref<10240x128xf32, #tpu.memory_space<vmem_shared>> -> memref<10240x128xf32, #tpu.memory_space<vmem_shared>>
        tpu.wait_indirect_dma semaphore(%run_scoped3A : memref<!tpu.dma_semaphore, #tpu.memory_space<semaphore_mem>>) src(%arg11 : memref<128x128xf32, #tpu.memory_space<vmem>>) dst(%dma_wait3A_76 : memref<10240x128xf32, #tpu.memory_space<vmem_shared>>)
        tpu.yield
      }) : () -> ()
    }
    %scan3A_21 = arith.constant 39 : i32
    %scan3A_22 = arith.constant 0 : i32
    %scan3A_23 = arith.constant 8 : i32
    %scan3A_24 = arith.addi %scan3A_22, %scan3A_23 : i32
    %scan3A_25 = arith.constant 1 : i32
    scf.for %scan3A_40 = %scan3A_22 to %scan3A_24 step %scan3A_25  : i32 {
      %mul3A_41 = arith.constant 16 : i32
      %mul3A_42 = arith.muli %scan3A_40, %mul3A_41 : i32
      %add3A_43 = arith.constant 0 : i32
      %add3A_44 = arith.addi %add3A_43, %mul3A_42 : i32
      %add3A_45 = arith.constant 10112 : i32
      %add3A_46 = arith.addi %add3A_45, %add3A_44 : i32
      %get3A = arith.index_cast %add3A_46 : i32 to index
      %get3A_47 = tpu.vector_load %arg5[%get3A] {strides = array<i32>} : memref<10240xi32, #tpu.memory_space<vmem>>, vector<16xi32>,
      %get3A_48 = vector.shape_cast %get3A_47 : vector<16xi32> to vector<16xi32>
      %and3A = arith.constant 65535 : i32
      %and3A_49 = vector.broadcast %and3A : i32 to vector<16xi32>
      %and3A_50 = arith.andi %get3A_48, %and3A_49 : vector<16xi32>
      %swap3A = arith.index_cast %add3A_44 : i32 to index
      %swap3A_51 = tpu.vector_load %arg7[%swap3A] {strides = array<i32>} : memref<128xi32, #tpu.memory_space<vmem>>, vector<16xi32>,
      %swap3A_52 = vector.shape_cast %swap3A_51 : vector<16xi32> to vector<16xi32>
      %swap3A_53 = vector.shape_cast %and3A_50 : vector<16xi32> to vector<16xi32>
      tpu.vector_store %arg7[%swap3A], %swap3A_53 {strides = array<i32>} : memref<128xi32, #tpu.memory_space<vmem>>, vector<16xi32>,
      %shift_right_logical3A = arith.constant 16 : i32
      %shift_right_logical3A_54 = vector.broadcast %shift_right_logical3A : i32 to vector<16xi32>
      %shift_right_logical3A_55 = arith.shrui %get3A_48, %shift_right_logical3A_54 : vector<16xi32>
      %swap3A_56 = arith.index_cast %add3A_44 : i32 to index
      %swap3A_57 = tpu.vector_load %arg9[%swap3A_56] {strides = array<i32>} : memref<128xi32, #tpu.memory_space<vmem>>, vector<16xi32>,
      %swap3A_58 = vector.shape_cast %swap3A_57 : vector<16xi32> to vector<16xi32>
      %swap3A_59 = vector.shape_cast %shift_right_logical3A_55 : vector<16xi32> to vector<16xi32>
      tpu.vector_store %arg9[%swap3A_56], %swap3A_59 {strides = array<i32>} : memref<128xi32, #tpu.memory_space<vmem>>, vector<16xi32>,
    }
    %scan3A_26 = arith.constant 8 : i32
    %dma_start3A_27 = arith.constant 0 : i32
    %dma_start3A_28 = arith.constant 0 : i32
    %dma_start3A_29 = tpu.memref_slice %arg2[%dma_start3A_27, %dma_start3A_28] : memref<10000x128xf32, #tpu.memory_space<hbm>> -> memref<10000x128xf32, #tpu.memory_space<hbm>>
    tpu.enqueue_indirect_dma source(%dma_start3A_29 : memref<10000x128xf32, #tpu.memory_space<hbm>>) target(%arg11 : memref<128x128xf32, #tpu.memory_space<vmem>>) offsets(%arg7 : memref<128xi32, #tpu.memory_space<vmem>>) semaphore(%arg13 : memref<!tpu.dma_semaphore, #tpu.memory_space<semaphore_mem>>)
    %dma_wait3A = arith.constant 0 : i32
    %dma_wait3A_30 = arith.constant 0 : i32
    %dma_wait3A_31 = tpu.memref_slice %arg2[%dma_wait3A, %dma_wait3A_30] : memref<10000x128xf32, #tpu.memory_space<hbm>> -> memref<10000x128xf32, #tpu.memory_space<hbm>>
    tpu.wait_indirect_dma semaphore(%arg12 : memref<!tpu.dma_semaphore, #tpu.memory_space<semaphore_mem>>) src(%dma_wait3A_31 : memref<10000x128xf32, #tpu.memory_space<hbm>>) dst(%arg10 : memref<128x128xf32, #tpu.memory_space<vmem>>)
    "tpu.region"() ({
      %run_scoped3A = tpu.sem_alloc : memref<!tpu.dma_semaphore, #tpu.memory_space<semaphore_mem>>
      %dma_start3A_40 = arith.constant 0 : i32
      %dma_start3A_41 = arith.constant 0 : i32
      %dma_start3A_42 = tpu.memref_slice %arg14[%dma_start3A_40, %dma_start3A_41] : memref<10240x128xf32, #tpu.memory_space<vmem_shared>> -> memref<10240x128xf32, #tpu.memory_space<vmem_shared>>
      tpu.enqueue_indirect_dma source(%arg10 : memref<128x128xf32, #tpu.memory_space<vmem>>) target(%dma_start3A_42 : memref<10240x128xf32, #tpu.memory_space<vmem_shared>>) offsets(%arg8 : memref<128xi32, #tpu.memory_space<vmem>>) semaphore(%run_scoped3A : memref<!tpu.dma_semaphore, #tpu.memory_space<semaphore_mem>>) {add = true}
      %dma_wait3A_43 = arith.constant 0 : i32
      %dma_wait3A_44 = arith.constant 0 : i32
      %dma_wait3A_45 = tpu.memref_slice %arg14[%dma_wait3A_43, %dma_wait3A_44] : memref<10240x128xf32, #tpu.memory_space<vmem_shared>> -> memref<10240x128xf32, #tpu.memory_space<vmem_shared>>
      tpu.wait_indirect_dma semaphore(%run_scoped3A : memref<!tpu.dma_semaphore, #tpu.memory_space<semaphore_mem>>) src(%arg10 : memref<128x128xf32, #tpu.memory_space<vmem>>) dst(%dma_wait3A_45 : memref<10240x128xf32, #tpu.memory_space<vmem_shared>>)
      tpu.yield
    }) : () -> ()
    %dma_wait3A_32 = arith.constant 0 : i32
    %dma_wait3A_33 = arith.constant 0 : i32
    %dma_wait3A_34 = tpu.memref_slice %arg2[%dma_wait3A_32, %dma_wait3A_33] : memref<10000x128xf32, #tpu.memory_space<hbm>> -> memref<10000x128xf32, #tpu.memory_space<hbm>>
    tpu.wait_indirect_dma semaphore(%arg13 : memref<!tpu.dma_semaphore, #tpu.memory_space<semaphore_mem>>) src(%dma_wait3A_34 : memref<10000x128xf32, #tpu.memory_space<hbm>>) dst(%arg11 : memref<128x128xf32, #tpu.memory_space<vmem>>)
    "tpu.region"() ({
      %run_scoped3A = tpu.sem_alloc : memref<!tpu.dma_semaphore, #tpu.memory_space<semaphore_mem>>
      %dma_start3A_40 = arith.constant 0 : i32
      %dma_start3A_41 = arith.constant 0 : i32
      %dma_start3A_42 = tpu.memref_slice %arg14[%dma_start3A_40, %dma_start3A_41] : memref<10240x128xf32, #tpu.memory_space<vmem_shared>> -> memref<10240x128xf32, #tpu.memory_space<vmem_shared>>
      tpu.enqueue_indirect_dma source(%arg11 : memref<128x128xf32, #tpu.memory_space<vmem>>) target(%dma_start3A_42 : memref<10240x128xf32, #tpu.memory_space<vmem_shared>>) offsets(%arg9 : memref<128xi32, #tpu.memory_space<vmem>>) semaphore(%run_scoped3A : memref<!tpu.dma_semaphore, #tpu.memory_space<semaphore_mem>>) {add = true}
      %dma_wait3A_43 = arith.constant 0 : i32
      %dma_wait3A_44 = arith.constant 0 : i32
      %dma_wait3A_45 = tpu.memref_slice %arg14[%dma_wait3A_43, %dma_wait3A_44] : memref<10240x128xf32, #tpu.memory_space<vmem_shared>> -> memref<10240x128xf32, #tpu.memory_space<vmem_shared>>
      tpu.wait_indirect_dma semaphore(%run_scoped3A : memref<!tpu.dma_semaphore, #tpu.memory_space<semaphore_mem>>) src(%arg11 : memref<128x128xf32, #tpu.memory_space<vmem>>) dst(%dma_wait3A_45 : memref<10240x128xf32, #tpu.memory_space<vmem_shared>>)
      tpu.yield
    }) : () -> ()
    %barrier3A_35 = arith.constant 0 : index
    tpu.barrier barrier_id(%barrier3A_35)
    %mul3A_36 = arith.constant 640 : i32
    %mul3A_37 = arith.muli %arg1, %mul3A_36 : i32
    %mul3A_38 = arith.constant 640 : i32
    %mul3A_39 = arith.muli %arg1, %mul3A_38 : i32
    "tpu.region"() ({
      %run_scoped3A = tpu.sem_alloc : memref<!tpu.dma_semaphore, #tpu.memory_space<semaphore_mem>>
      %dma_start3A_40 = arith.constant 0 : i32
      %dma_start3A_41 = tpu.memref_slice %arg4[%arg0, %mul3A_39, %dma_start3A_40] : memref<2x10240x128xf32, #tpu.memory_space<hbm>> -> memref<1x640x128xf32, #tpu.memory_space<hbm>>
      %dma_start3A_42 = tpu.memref_squeeze %dma_start3A_41 : memref<1x640x128xf32, #tpu.memory_space<hbm>> -> memref<640x128xf32, #tpu.memory_space<hbm>>
      %dma_start3A_43 = arith.constant 0 : i32
      %dma_start3A_44 = tpu.memref_slice %arg14[%mul3A_37, %dma_start3A_43] : memref<10240x128xf32, #tpu.memory_space<vmem_shared>> -> memref<640x128xf32, #tpu.memory_space<vmem_shared>>
      tpu.enqueue_dma source(%dma_start3A_44 : memref<640x128xf32, #tpu.memory_space<vmem_shared>>) target(%dma_start3A_42 : memref<640x128xf32, #tpu.memory_space<hbm>>) target_semaphore(%run_scoped3A : memref<!tpu.dma_semaphore, #tpu.memory_space<semaphore_mem>>)
      %dma_wait3A_45 = arith.constant 0 : i32
      %dma_wait3A_46 = tpu.memref_slice %arg4[%arg0, %mul3A_39, %dma_wait3A_45] : memref<2x10240x128xf32, #tpu.memory_space<hbm>> -> memref<1x640x128xf32, #tpu.memory_space<hbm>>
      %dma_wait3A_47 = tpu.memref_squeeze %dma_wait3A_46 : memref<1x640x128xf32, #tpu.memory_space<hbm>> -> memref<640x128xf32, #tpu.memory_space<hbm>>
      %dma_wait3A_48 = arith.constant 0 : i32
      %dma_wait3A_49 = tpu.memref_slice %arg14[%mul3A_37, %dma_wait3A_48] : memref<10240x128xf32, #tpu.memory_space<vmem_shared>> -> memref<640x128xf32, #tpu.memory_space<vmem_shared>>
      tpu.wait_dma2 semaphore(%run_scoped3A : memref<!tpu.dma_semaphore, #tpu.memory_space<semaphore_mem>>) src(%dma_wait3A_49 : memref<640x128xf32, #tpu.memory_space<vmem_shared>>) dst(%dma_wait3A_47 : memref<640x128xf32, #tpu.memory_space<hbm>>)
      tpu.yield
    }) : () -> ()
    return
  }
}

#map = affine_map<(d0, d1) -> (0, 0)>
#map1 = affine_map<(d0, d1) -> (0, 0, 0)>
module attributes {stable_mosaic.version = 14 : i64} {
  func.func @scat_kernel(%arg0: i32, %arg1: i32, %arg2: memref<10000x128xf32, #tpu.memory_space<hbm>>, %arg3: memref<32x10240xi32, #tpu.memory_space<hbm>>, %arg4: memref<2x10240x128xf32, #tpu.memory_space<hbm>>, %arg5: memref<10240xi32, #tpu.memory_space<vmem>>, %arg6: memref<128xi32, #tpu.memory_space<vmem>>, %arg7: memref<128xi32, #tpu.memory_space<vmem>>, %arg8: memref<128xi32, #tpu.memory_space<vmem>>, %arg9: memref<128xi32, #tpu.memory_space<vmem>>, %arg10: memref<128x128xf32, #tpu.memory_space<vmem>>, %arg11: memref<128x128xf32, #tpu.memory_space<vmem>>, %arg12: memref<!tpu.dma_semaphore, #tpu.memory_space<semaphore_mem>>, %arg13: memref<!tpu.dma_semaphore, #tpu.memory_space<semaphore_mem>>, %arg14: memref<10240x128xf32, #tpu.memory_space<vmem_shared>>) attributes {dimension_semantics = [#tpu.dimension_semantics<core_parallel>, #tpu.dimension_semantics<subcore_parallel>], iteration_bounds = array<i64: 2, 16>, scalar_prefetch = 0 : i64, scratch_operands = 10 : i64, tpu.core_type = #tpu.core_type<sc_vector_subcore>, window_params = [{transform_indices = #map}, {transform_indices = #map}, {transform_indices = #map1}]} {
    %mul3A = arith.constant 16 : i32
    %mul3A_0 = arith.muli %arg0, %mul3A : i32
    %add3A = arith.addi %mul3A_0, %arg1 : i32
    "tpu.region"() ({
      %run_scoped3A = tpu.sem_alloc : memref<!tpu.dma_semaphore, #tpu.memory_space<semaphore_mem>>
      %dma_start3A_40 = arith.constant 0 : i32
      %dma_start3A_41 = tpu.memref_slice %arg3[%add3A, %dma_start3A_40] : memref<32x10240xi32, #tpu.memory_space<hbm>> -> memref<1x10240xi32, #tpu.memory_space<hbm>>
      %dma_start3A_42 = tpu.memref_squeeze %dma_start3A_41 : memref<1x10240xi32, #tpu.memory_space<hbm>> -> memref<10240xi32, #tpu.memory_space<hbm>>
      %dma_start3A_43 = arith.constant 0 : i32
      %dma_start3A_44 = tpu.memref_slice %arg3[%add3A, %dma_start3A_43] : memref<32x10240xi32, #tpu.memory_space<hbm>> -> memref<1x10240xi32, #tpu.memory_space<hbm>>
      %dma_start3A_45 = tpu.memref_squeeze %dma_start3A_44 : memref<1x10240xi32, #tpu.memory_space<hbm>> -> memref<10240xi32, #tpu.memory_space<hbm>>
      tpu.enqueue_dma source(%dma_start3A_45 : memref<10240xi32, #tpu.memory_space<hbm>>) target(%arg5 : memref<10240xi32, #tpu.memory_space<vmem>>) target_semaphore(%run_scoped3A : memref<!tpu.dma_semaphore, #tpu.memory_space<semaphore_mem>>)
      %dma_wait3A_46 = arith.constant 0 : i32
      %dma_wait3A_47 = tpu.memref_slice %arg3[%add3A, %dma_wait3A_46] : memref<32x10240xi32, #tpu.memory_space<hbm>> -> memref<1x10240xi32, #tpu.memory_space<hbm>>
      %dma_wait3A_48 = tpu.memref_squeeze %dma_wait3A_47 : memref<1x10240xi32, #tpu.memory_space<hbm>> -> memref<10240xi32, #tpu.memory_space<hbm>>
      %dma_wait3A_49 = arith.constant 0 : i32
      %dma_wait3A_50 = tpu.memref_slice %arg3[%add3A, %dma_wait3A_49] : memref<32x10240xi32, #tpu.memory_space<hbm>> -> memref<1x10240xi32, #tpu.memory_space<hbm>>
      %dma_wait3A_51 = tpu.memref_squeeze %dma_wait3A_50 : memref<1x10240xi32, #tpu.memory_space<hbm>> -> memref<10240xi32, #tpu.memory_space<hbm>>
      tpu.wait_dma2 semaphore(%run_scoped3A : memref<!tpu.dma_semaphore, #tpu.memory_space<semaphore_mem>>) src(%dma_wait3A_51 : memref<10240xi32, #tpu.memory_space<hbm>>) dst(%arg5 : memref<10240xi32, #tpu.memory_space<vmem>>)
      tpu.yield
    }) : () -> ()
    %scan3A = arith.constant 0 : i32
    %scan3A_1 = arith.constant 128 : i32
    %scan3A_2 = arith.addi %scan3A, %scan3A_1 : i32
    %scan3A_3 = arith.constant 1 : i32
    scf.for %scan3A_40 = %scan3A to %scan3A_2 step %scan3A_3  : i32 {
      %mul3A_41 = arith.constant 1 : i32
      %mul3A_42 = arith.muli %scan3A_40, %mul3A_41 : i32
      %add3A_43 = arith.constant 0 : i32
      %add3A_44 = arith.addi %add3A_43, %mul3A_42 : i32
      %scan3A_45 = arith.constant 0 : i32
      %scan3A_46 = arith.constant 8 : i32
      %scan3A_47 = arith.addi %scan3A_45, %scan3A_46 : i32
      %scan3A_48 = arith.constant 1 : i32
      scf.for %scan3A_50 = %scan3A_45 to %scan3A_47 step %scan3A_48  : i32 {
        %mul3A_51 = arith.constant 16 : i32
        %mul3A_52 = arith.muli %scan3A_50, %mul3A_51 : i32
        %add3A_53 = arith.constant 0 : i32
        %add3A_54 = arith.addi %add3A_53, %mul3A_52 : i32
        %broadcast_in_dim3A = arith.constant 0.000000e+00 : f32
        %broadcast_in_dim3A_55 = vector.broadcast %broadcast_in_dim3A : f32 to vector<16xf32>
        %swap3A = arith.index_cast %add3A_44 : i32 to index
        %swap3A_56 = arith.index_cast %add3A_54 : i32 to index
        %swap3A_57 = tpu.vector_load %arg10[%swap3A, %swap3A_56] {strides = array<i32>} : memref<128x128xf32, #tpu.memory_space<vmem>>, vector<1x16xf32>,
        %swap3A_58 = vector.shape_cast %swap3A_57 : vector<1x16xf32> to vector<16xf32>
        %swap3A_59 = vector.shape_cast %broadcast_in_dim3A_55 : vector<16xf32> to vector<1x16xf32>
        tpu.vector_store %arg10[%swap3A, %swap3A_56], %swap3A_59 {strides = array<i32>} : memref<128x128xf32, #tpu.memory_space<vmem>>, vector<1x16xf32>,
      }
      %scan3A_49 = arith.constant 8 : i32
    }
    %scan3A_4 = arith.constant 128 : i32
    %scan3A_5 = arith.constant 0 : i32
    %scan3A_6 = arith.constant 5 : i32
    %scan3A_7 = arith.addi %scan3A_5, %scan3A_6 : i32
    %scan3A_8 = arith.constant 1 : i32
    scf.for %scan3A_40 = %scan3A_5 to %scan3A_7 step %scan3A_8  : i32 {
      %mul3A_41 = arith.constant 1 : i32
      %mul3A_42 = arith.muli %scan3A_40, %mul3A_41 : i32
      %add3A_43 = arith.constant 0 : i32
      %add3A_44 = arith.addi %add3A_43, %mul3A_42 : i32
      %mul3A_45 = arith.constant 640 : i32
      %mul3A_46 = arith.muli %arg1, %mul3A_45 : i32
      %mul3A_47 = arith.constant 128 : i32
      %mul3A_48 = arith.muli %add3A_44, %mul3A_47 : i32
      %add3A_49 = arith.addi %mul3A_46, %mul3A_48 : i32
      "tpu.region"() ({
        %run_scoped3A = tpu.sem_alloc : memref<!tpu.dma_semaphore, #tpu.memory_space<semaphore_mem>>
        %dma_start3A_50 = arith.constant 0 : i32
        %dma_start3A_51 = tpu.memref_slice %arg14[%add3A_49, %dma_start3A_50] : memref<10240x128xf32, #tpu.memory_space<vmem_shared>> -> memref<128x128xf32, #tpu.memory_space<vmem_shared>>
        %dma_start3A_52 = arith.constant 0 : i32
        %dma_start3A_53 = tpu.memref_slice %arg14[%add3A_49, %dma_start3A_52] : memref<10240x128xf32, #tpu.memory_space<vmem_shared>> -> memref<128x128xf32, #tpu.memory_space<vmem_shared>>
        tpu.enqueue_dma source(%arg10 : memref<128x128xf32, #tpu.memory_space<vmem>>) target(%dma_start3A_53 : memref<128x128xf32, #tpu.memory_space<vmem_shared>>) target_semaphore(%run_scoped3A : memref<!tpu.dma_semaphore, #tpu.memory_space<semaphore_mem>>)
        %dma_wait3A_54 = arith.constant 0 : i32
        %dma_wait3A_55 = tpu.memref_slice %arg14[%add3A_49, %dma_wait3A_54] : memref<10240x128xf32, #tpu.memory_space<vmem_shared>> -> memref<128x128xf32, #tpu.memory_space<vmem_shared>>
        %dma_wait3A_56 = arith.constant 0 : i32
        %dma_wait3A_57 = tpu.memref_slice %arg14[%add3A_49, %dma_wait3A_56] : memref<10240x128xf32, #tpu.memory_space<vmem_shared>> -> memref<128x128xf32, #tpu.memory_space<vmem_shared>>
        tpu.wait_dma2 semaphore(%run_scoped3A : memref<!tpu.dma_semaphore, #tpu.memory_space<semaphore_mem>>) src(%arg10 : memref<128x128xf32, #tpu.memory_space<vmem>>) dst(%dma_wait3A_57 : memref<128x128xf32, #tpu.memory_space<vmem_shared>>)
        tpu.yield
      }) : () -> ()
    }
    %scan3A_9 = arith.constant 5 : i32
    %barrier3A = arith.constant 0 : index
    tpu.barrier barrier_id(%barrier3A)
    %scan3A_10 = arith.constant 0 : i32
    %scan3A_11 = arith.constant 8 : i32
    %scan3A_12 = arith.addi %scan3A_10, %scan3A_11 : i32
    %scan3A_13 = arith.constant 1 : i32
    scf.for %scan3A_40 = %scan3A_10 to %scan3A_12 step %scan3A_13  : i32 {
      %mul3A_41 = arith.constant 16 : i32
      %mul3A_42 = arith.muli %scan3A_40, %mul3A_41 : i32
      %add3A_43 = arith.constant 0 : i32
      %add3A_44 = arith.addi %add3A_43, %mul3A_42 : i32
      %add3A_45 = arith.constant 0 : i32
      %add3A_46 = arith.addi %add3A_45, %add3A_44 : i32
      %get3A = arith.index_cast %add3A_46 : i32 to index
      %get3A_47 = tpu.vector_load %arg5[%get3A] {strides = array<i32>} : memref<10240xi32, #tpu.memory_space<vmem>>, vector<16xi32>,
      %get3A_48 = vector.shape_cast %get3A_47 : vector<16xi32> to vector<16xi32>
      %and3A = arith.constant 65535 : i32
      %and3A_49 = vector.broadcast %and3A : i32 to vector<16xi32>
      %and3A_50 = arith.andi %get3A_48, %and3A_49 : vector<16xi32>
      %swap3A = arith.index_cast %add3A_44 : i32 to index
      %swap3A_51 = tpu.vector_load %arg6[%swap3A] {strides = array<i32>} : memref<128xi32, #tpu.memory_space<vmem>>, vector<16xi32>,
      %swap3A_52 = vector.shape_cast %swap3A_51 : vector<16xi32> to vector<16xi32>
      %swap3A_53 = vector.shape_cast %and3A_50 : vector<16xi32> to vector<16xi32>
      tpu.vector_store %arg6[%swap3A], %swap3A_53 {strides = array<i32>} : memref<128xi32, #tpu.memory_space<vmem>>, vector<16xi32>,
      %shift_right_logical3A = arith.constant 16 : i32
      %shift_right_logical3A_54 = vector.broadcast %shift_right_logical3A : i32 to vector<16xi32>
      %shift_right_logical3A_55 = arith.shrui %get3A_48, %shift_right_logical3A_54 : vector<16xi32>
      %swap3A_56 = arith.index_cast %add3A_44 : i32 to index
      %swap3A_57 = tpu.vector_load %arg8[%swap3A_56] {strides = array<i32>} : memref<128xi32, #tpu.memory_space<vmem>>, vector<16xi32>,
      %swap3A_58 = vector.shape_cast %swap3A_57 : vector<16xi32> to vector<16xi32>
      %swap3A_59 = vector.shape_cast %shift_right_logical3A_55 : vector<16xi32> to vector<16xi32>
      tpu.vector_store %arg8[%swap3A_56], %swap3A_59 {strides = array<i32>} : memref<128xi32, #tpu.memory_space<vmem>>, vector<16xi32>,
    }
    %scan3A_14 = arith.constant 8 : i32
    %dma_start3A = arith.constant 0 : i32
    %dma_start3A_15 = arith.constant 0 : i32
    %dma_start3A_16 = tpu.memref_slice %arg2[%dma_start3A, %dma_start3A_15] : memref<10000x128xf32, #tpu.memory_space<hbm>> -> memref<10000x128xf32, #tpu.memory_space<hbm>>
    tpu.enqueue_indirect_dma source(%dma_start3A_16 : memref<10000x128xf32, #tpu.memory_space<hbm>>) target(%arg10 : memref<128x128xf32, #tpu.memory_space<vmem>>) offsets(%arg6 : memref<128xi32, #tpu.memory_space<vmem>>) semaphore(%arg12 : memref<!tpu.dma_semaphore, #tpu.memory_space<semaphore_mem>>)
    %scan3A_17 = arith.constant 0 : i32
    %scan3A_18 = arith.constant 39 : i32
    %scan3A_19 = arith.addi %scan3A_17, %scan3A_18 : i32
    %scan3A_20 = arith.constant 1 : i32
    scf.for %scan3A_40 = %scan3A_17 to %scan3A_19 step %scan3A_20  : i32 {
      %mul3A_41 = arith.constant 2 : i32
      %mul3A_42 = arith.muli %scan3A_40, %mul3A_41 : i32
      %add3A_43 = arith.constant 0 : i32
      %add3A_44 = arith.addi %add3A_43, %mul3A_42 : i32
      %add3A_45 = arith.constant 1 : i32
      %add3A_46 = arith.addi %add3A_44, %add3A_45 : i32
      %scan3A_47 = arith.constant 0 : i32
      %scan3A_48 = arith.constant 8 : i32
      %scan3A_49 = arith.addi %scan3A_47, %scan3A_48 : i32
      %scan3A_50 = arith.constant 1 : i32
      scf.for %scan3A_71 = %scan3A_47 to %scan3A_49 step %scan3A_50  : i32 {
        %mul3A_72 = arith.constant 16 : i32
        %mul3A_73 = arith.muli %scan3A_71, %mul3A_72 : i32
        %add3A_74 = arith.constant 0 : i32
        %add3A_75 = arith.addi %add3A_74, %mul3A_73 : i32
        %mul3A_76 = arith.constant 128 : i32
        %mul3A_77 = arith.muli %add3A_46, %mul3A_76 : i32
        %add3A_78 = arith.addi %mul3A_77, %add3A_75 : i32
        %get3A = arith.index_cast %add3A_78 : i32 to index
        %get3A_79 = tpu.vector_load %arg5[%get3A] {strides = array<i32>} : memref<10240xi32, #tpu.memory_space<vmem>>, vector<16xi32>,
        %get3A_80 = vector.shape_cast %get3A_79 : vector<16xi32> to vector<16xi32>
        %and3A = arith.constant 65535 : i32
        %and3A_81 = vector.broadcast %and3A : i32 to vector<16xi32>
        %and3A_82 = arith.andi %get3A_80, %and3A_81 : vector<16xi32>
        %swap3A = arith.index_cast %add3A_75 : i32 to index
        %swap3A_83 = tpu.vector_load %arg7[%swap3A] {strides = array<i32>} : memref<128xi32, #tpu.memory_space<vmem>>, vector<16xi32>,
        %swap3A_84 = vector.shape_cast %swap3A_83 : vector<16xi32> to vector<16xi32>
        %swap3A_85 = vector.shape_cast %and3A_82 : vector<16xi32> to vector<16xi32>
        tpu.vector_store %arg7[%swap3A], %swap3A_85 {strides = array<i32>} : memref<128xi32, #tpu.memory_space<vmem>>, vector<16xi32>,
        %shift_right_logical3A = arith.constant 16 : i32
        %shift_right_logical3A_86 = vector.broadcast %shift_right_logical3A : i32 to vector<16xi32>
        %shift_right_logical3A_87 = arith.shrui %get3A_80, %shift_right_logical3A_86 : vector<16xi32>
        %swap3A_88 = arith.index_cast %add3A_75 : i32 to index
        %swap3A_89 = tpu.vector_load %arg9[%swap3A_88] {strides = array<i32>} : memref<128xi32, #tpu.memory_space<vmem>>, vector<16xi32>,
        %swap3A_90 = vector.shape_cast %swap3A_89 : vector<16xi32> to vector<16xi32>
        %swap3A_91 = vector.shape_cast %shift_right_logical3A_87 : vector<16xi32> to vector<16xi32>
        tpu.vector_store %arg9[%swap3A_88], %swap3A_91 {strides = array<i32>} : memref<128xi32, #tpu.memory_space<vmem>>, vector<16xi32>,
      }
      %scan3A_51 = arith.constant 8 : i32
      %dma_start3A_52 = arith.constant 0 : i32
      %dma_start3A_53 = arith.constant 0 : i32
      %dma_start3A_54 = tpu.memref_slice %arg2[%dma_start3A_52, %dma_start3A_53] : memref<10000x128xf32, #tpu.memory_space<hbm>> -> memref<10000x128xf32, #tpu.memory_space<hbm>>
      tpu.enqueue_indirect_dma source(%dma_start3A_54 : memref<10000x128xf32, #tpu.memory_space<hbm>>) target(%arg11 : memref<128x128xf32, #tpu.memory_space<vmem>>) offsets(%arg7 : memref<128xi32, #tpu.memory_space<vmem>>) semaphore(%arg13 : memref<!tpu.dma_semaphore, #tpu.memory_space<semaphore_mem>>)
      %dma_wait3A_55 = arith.constant 0 : i32
      %dma_wait3A_56 = arith.constant 0 : i32
      %dma_wait3A_57 = tpu.memref_slice %arg2[%dma_wait3A_55, %dma_wait3A_56] : memref<10000x128xf32, #tpu.memory_space<hbm>> -> memref<10000x128xf32, #tpu.memory_space<hbm>>
      tpu.wait_indirect_dma semaphore(%arg12 : memref<!tpu.dma_semaphore, #tpu.memory_space<semaphore_mem>>) src(%dma_wait3A_57 : memref<10000x128xf32, #tpu.memory_space<hbm>>) dst(%arg10 : memref<128x128xf32, #tpu.memory_space<vmem>>)
      "tpu.region"() ({
        %run_scoped3A = tpu.sem_alloc : memref<!tpu.dma_semaphore, #tpu.memory_space<semaphore_mem>>
        %dma_start3A_71 = arith.constant 0 : i32
        %dma_start3A_72 = arith.constant 0 : i32
        %dma_start3A_73 = tpu.memref_slice %arg14[%dma_start3A_71, %dma_start3A_72] : memref<10240x128xf32, #tpu.memory_space<vmem_shared>> -> memref<10240x128xf32, #tpu.memory_space<vmem_shared>>
        tpu.enqueue_indirect_dma source(%arg10 : memref<128x128xf32, #tpu.memory_space<vmem>>) target(%dma_start3A_73 : memref<10240x128xf32, #tpu.memory_space<vmem_shared>>) offsets(%arg8 : memref<128xi32, #tpu.memory_space<vmem>>) semaphore(%run_scoped3A : memref<!tpu.dma_semaphore, #tpu.memory_space<semaphore_mem>>) {add = true}
        %dma_wait3A_74 = arith.constant 0 : i32
        %dma_wait3A_75 = arith.constant 0 : i32
        %dma_wait3A_76 = tpu.memref_slice %arg14[%dma_wait3A_74, %dma_wait3A_75] : memref<10240x128xf32, #tpu.memory_space<vmem_shared>> -> memref<10240x128xf32, #tpu.memory_space<vmem_shared>>
        tpu.wait_indirect_dma semaphore(%run_scoped3A : memref<!tpu.dma_semaphore, #tpu.memory_space<semaphore_mem>>) src(%arg10 : memref<128x128xf32, #tpu.memory_space<vmem>>) dst(%dma_wait3A_76 : memref<10240x128xf32, #tpu.memory_space<vmem_shared>>)
        tpu.yield
      }) : () -> ()
      %add3A_58 = arith.constant 2 : i32
      %add3A_59 = arith.addi %add3A_44, %add3A_58 : i32
      %scan3A_60 = arith.constant 0 : i32
      %scan3A_61 = arith.constant 8 : i32
      %scan3A_62 = arith.addi %scan3A_60, %scan3A_61 : i32
      %scan3A_63 = arith.constant 1 : i32
      scf.for %scan3A_71 = %scan3A_60 to %scan3A_62 step %scan3A_63  : i32 {
        %mul3A_72 = arith.constant 16 : i32
        %mul3A_73 = arith.muli %scan3A_71, %mul3A_72 : i32
        %add3A_74 = arith.constant 0 : i32
        %add3A_75 = arith.addi %add3A_74, %mul3A_73 : i32
        %mul3A_76 = arith.constant 128 : i32
        %mul3A_77 = arith.muli %add3A_59, %mul3A_76 : i32
        %add3A_78 = arith.addi %mul3A_77, %add3A_75 : i32
        %get3A = arith.index_cast %add3A_78 : i32 to index
        %get3A_79 = tpu.vector_load %arg5[%get3A] {strides = array<i32>} : memref<10240xi32, #tpu.memory_space<vmem>>, vector<16xi32>,
        %get3A_80 = vector.shape_cast %get3A_79 : vector<16xi32> to vector<16xi32>
        %and3A = arith.constant 65535 : i32
        %and3A_81 = vector.broadcast %and3A : i32 to vector<16xi32>
        %and3A_82 = arith.andi %get3A_80, %and3A_81 : vector<16xi32>
        %swap3A = arith.index_cast %add3A_75 : i32 to index
        %swap3A_83 = tpu.vector_load %arg6[%swap3A] {strides = array<i32>} : memref<128xi32, #tpu.memory_space<vmem>>, vector<16xi32>,
        %swap3A_84 = vector.shape_cast %swap3A_83 : vector<16xi32> to vector<16xi32>
        %swap3A_85 = vector.shape_cast %and3A_82 : vector<16xi32> to vector<16xi32>
        tpu.vector_store %arg6[%swap3A], %swap3A_85 {strides = array<i32>} : memref<128xi32, #tpu.memory_space<vmem>>, vector<16xi32>,
        %shift_right_logical3A = arith.constant 16 : i32
        %shift_right_logical3A_86 = vector.broadcast %shift_right_logical3A : i32 to vector<16xi32>
        %shift_right_logical3A_87 = arith.shrui %get3A_80, %shift_right_logical3A_86 : vector<16xi32>
        %swap3A_88 = arith.index_cast %add3A_75 : i32 to index
        %swap3A_89 = tpu.vector_load %arg8[%swap3A_88] {strides = array<i32>} : memref<128xi32, #tpu.memory_space<vmem>>, vector<16xi32>,
        %swap3A_90 = vector.shape_cast %swap3A_89 : vector<16xi32> to vector<16xi32>
        %swap3A_91 = vector.shape_cast %shift_right_logical3A_87 : vector<16xi32> to vector<16xi32>
        tpu.vector_store %arg8[%swap3A_88], %swap3A_91 {strides = array<i32>} : memref<128xi32, #tpu.memory_space<vmem>>, vector<16xi32>,
      }
      %scan3A_64 = arith.constant 8 : i32
      %dma_start3A_65 = arith.constant 0 : i32
      %dma_start3A_66 = arith.constant 0 : i32
      %dma_start3A_67 = tpu.memref_slice %arg2[%dma_start3A_65, %dma_start3A_66] : memref<10000x128xf32, #tpu.memory_space<hbm>> -> memref<10000x128xf32, #tpu.memory_space<hbm>>
      tpu.enqueue_indirect_dma source(%dma_start3A_67 : memref<10000x128xf32, #tpu.memory_space<hbm>>) target(%arg10 : memref<128x128xf32, #tpu.memory_space<vmem>>) offsets(%arg6 : memref<128xi32, #tpu.memory_space<vmem>>) semaphore(%arg12 : memref<!tpu.dma_semaphore, #tpu.memory_space<semaphore_mem>>)
      %dma_wait3A_68 = arith.constant 0 : i32
      %dma_wait3A_69 = arith.constant 0 : i32
      %dma_wait3A_70 = tpu.memref_slice %arg2[%dma_wait3A_68, %dma_wait3A_69] : memref<10000x128xf32, #tpu.memory_space<hbm>> -> memref<10000x128xf32, #tpu.memory_space<hbm>>
      tpu.wait_indirect_dma semaphore(%arg13 : memref<!tpu.dma_semaphore, #tpu.memory_space<semaphore_mem>>) src(%dma_wait3A_70 : memref<10000x128xf32, #tpu.memory_space<hbm>>) dst(%arg11 : memref<128x128xf32, #tpu.memory_space<vmem>>)
      "tpu.region"() ({
        %run_scoped3A = tpu.sem_alloc : memref<!tpu.dma_semaphore, #tpu.memory_space<semaphore_mem>>
        %dma_start3A_71 = arith.constant 0 : i32
        %dma_start3A_72 = arith.constant 0 : i32
        %dma_start3A_73 = tpu.memref_slice %arg14[%dma_start3A_71, %dma_start3A_72] : memref<10240x128xf32, #tpu.memory_space<vmem_shared>> -> memref<10240x128xf32, #tpu.memory_space<vmem_shared>>
        tpu.enqueue_indirect_dma source(%arg11 : memref<128x128xf32, #tpu.memory_space<vmem>>) target(%dma_start3A_73 : memref<10240x128xf32, #tpu.memory_space<vmem_shared>>) offsets(%arg9 : memref<128xi32, #tpu.memory_space<vmem>>) semaphore(%run_scoped3A : memref<!tpu.dma_semaphore, #tpu.memory_space<semaphore_mem>>) {add = true}
        %dma_wait3A_74 = arith.constant 0 : i32
        %dma_wait3A_75 = arith.constant 0 : i32
        %dma_wait3A_76 = tpu.memref_slice %arg14[%dma_wait3A_74, %dma_wait3A_75] : memref<10240x128xf32, #tpu.memory_space<vmem_shared>> -> memref<10240x128xf32, #tpu.memory_space<vmem_shared>>
        tpu.wait_indirect_dma semaphore(%run_scoped3A : memref<!tpu.dma_semaphore, #tpu.memory_space<semaphore_mem>>) src(%arg11 : memref<128x128xf32, #tpu.memory_space<vmem>>) dst(%dma_wait3A_76 : memref<10240x128xf32, #tpu.memory_space<vmem_shared>>)
        tpu.yield
      }) : () -> ()
    }
    %scan3A_21 = arith.constant 39 : i32
    %scan3A_22 = arith.constant 0 : i32
    %scan3A_23 = arith.constant 8 : i32
    %scan3A_24 = arith.addi %scan3A_22, %scan3A_23 : i32
    %scan3A_25 = arith.constant 1 : i32
    scf.for %scan3A_40 = %scan3A_22 to %scan3A_24 step %scan3A_25  : i32 {
      %mul3A_41 = arith.constant 16 : i32
      %mul3A_42 = arith.muli %scan3A_40, %mul3A_41 : i32
      %add3A_43 = arith.constant 0 : i32
      %add3A_44 = arith.addi %add3A_43, %mul3A_42 : i32
      %add3A_45 = arith.constant 10112 : i32
      %add3A_46 = arith.addi %add3A_45, %add3A_44 : i32
      %get3A = arith.index_cast %add3A_46 : i32 to index
      %get3A_47 = tpu.vector_load %arg5[%get3A] {strides = array<i32>} : memref<10240xi32, #tpu.memory_space<vmem>>, vector<16xi32>,
      %get3A_48 = vector.shape_cast %get3A_47 : vector<16xi32> to vector<16xi32>
      %and3A = arith.constant 65535 : i32
      %and3A_49 = vector.broadcast %and3A : i32 to vector<16xi32>
      %and3A_50 = arith.andi %get3A_48, %and3A_49 : vector<16xi32>
      %swap3A = arith.index_cast %add3A_44 : i32 to index
      %swap3A_51 = tpu.vector_load %arg7[%swap3A] {strides = array<i32>} : memref<128xi32, #tpu.memory_space<vmem>>, vector<16xi32>,
      %swap3A_52 = vector.shape_cast %swap3A_51 : vector<16xi32> to vector<16xi32>
      %swap3A_53 = vector.shape_cast %and3A_50 : vector<16xi32> to vector<16xi32>
      tpu.vector_store %arg7[%swap3A], %swap3A_53 {strides = array<i32>} : memref<128xi32, #tpu.memory_space<vmem>>, vector<16xi32>,
      %shift_right_logical3A = arith.constant 16 : i32
      %shift_right_logical3A_54 = vector.broadcast %shift_right_logical3A : i32 to vector<16xi32>
      %shift_right_logical3A_55 = arith.shrui %get3A_48, %shift_right_logical3A_54 : vector<16xi32>
      %swap3A_56 = arith.index_cast %add3A_44 : i32 to index
      %swap3A_57 = tpu.vector_load %arg9[%swap3A_56] {strides = array<i32>} : memref<128xi32, #tpu.memory_space<vmem>>, vector<16xi32>,
      %swap3A_58 = vector.shape_cast %swap3A_57 : vector<16xi32> to vector<16xi32>
      %swap3A_59 = vector.shape_cast %shift_right_logical3A_55 : vector<16xi32> to vector<16xi32>
      tpu.vector_store %arg9[%swap3A_56], %swap3A_59 {strides = array<i32>} : memref<128xi32, #tpu.memory_space<vmem>>, vector<16xi32>,
    }
    %scan3A_26 = arith.constant 8 : i32
    %dma_start3A_27 = arith.constant 0 : i32
    %dma_start3A_28 = arith.constant 0 : i32
    %dma_start3A_29 = tpu.memref_slice %arg2[%dma_start3A_27, %dma_start3A_28] : memref<10000x128xf32, #tpu.memory_space<hbm>> -> memref<10000x128xf32, #tpu.memory_space<hbm>>
    tpu.enqueue_indirect_dma source(%dma_start3A_29 : memref<10000x128xf32, #tpu.memory_space<hbm>>) target(%arg11 : memref<128x128xf32, #tpu.memory_space<vmem>>) offsets(%arg7 : memref<128xi32, #tpu.memory_space<vmem>>) semaphore(%arg13 : memref<!tpu.dma_semaphore, #tpu.memory_space<semaphore_mem>>)
    %dma_wait3A = arith.constant 0 : i32
    %dma_wait3A_30 = arith.constant 0 : i32
    %dma_wait3A_31 = tpu.memref_slice %arg2[%dma_wait3A, %dma_wait3A_30] : memref<10000x128xf32, #tpu.memory_space<hbm>> -> memref<10000x128xf32, #tpu.memory_space<hbm>>
    tpu.wait_indirect_dma semaphore(%arg12 : memref<!tpu.dma_semaphore, #tpu.memory_space<semaphore_mem>>) src(%dma_wait3A_31 : memref<10000x128xf32, #tpu.memory_space<hbm>>) dst(%arg10 : memref<128x128xf32, #tpu.memory_space<vmem>>)
    "tpu.region"() ({
      %run_scoped3A = tpu.sem_alloc : memref<!tpu.dma_semaphore, #tpu.memory_space<semaphore_mem>>
      %dma_start3A_40 = arith.constant 0 : i32
      %dma_start3A_41 = arith.constant 0 : i32
      %dma_start3A_42 = tpu.memref_slice %arg14[%dma_start3A_40, %dma_start3A_41] : memref<10240x128xf32, #tpu.memory_space<vmem_shared>> -> memref<10240x128xf32, #tpu.memory_space<vmem_shared>>
      tpu.enqueue_indirect_dma source(%arg10 : memref<128x128xf32, #tpu.memory_space<vmem>>) target(%dma_start3A_42 : memref<10240x128xf32, #tpu.memory_space<vmem_shared>>) offsets(%arg8 : memref<128xi32, #tpu.memory_space<vmem>>) semaphore(%run_scoped3A : memref<!tpu.dma_semaphore, #tpu.memory_space<semaphore_mem>>) {add = true}
      %dma_wait3A_43 = arith.constant 0 : i32
      %dma_wait3A_44 = arith.constant 0 : i32
      %dma_wait3A_45 = tpu.memref_slice %arg14[%dma_wait3A_43, %dma_wait3A_44] : memref<10240x128xf32, #tpu.memory_space<vmem_shared>> -> memref<10240x128xf32, #tpu.memory_space<vmem_shared>>
      tpu.wait_indirect_dma semaphore(%run_scoped3A : memref<!tpu.dma_semaphore, #tpu.memory_space<semaphore_mem>>) src(%arg10 : memref<128x128xf32, #tpu.memory_space<vmem>>) dst(%dma_wait3A_45 : memref<10240x128xf32, #tpu.memory_space<vmem_shared>>)
      tpu.yield
    }) : () -> ()
    %dma_wait3A_32 = arith.constant 0 : i32
    %dma_wait3A_33 = arith.constant 0 : i32
    %dma_wait3A_34 = tpu.memref_slice %arg2[%dma_wait3A_32, %dma_wait3A_33] : memref<10000x128xf32, #tpu.memory_space<hbm>> -> memref<10000x128xf32, #tpu.memory_space<hbm>>
    tpu.wait_indirect_dma semaphore(%arg13 : memref<!tpu.dma_semaphore, #tpu.memory_space<semaphore_mem>>) src(%dma_wait3A_34 : memref<10000x128xf32, #tpu.memory_space<hbm>>) dst(%arg11 : memref<128x128xf32, #tpu.memory_space<vmem>>)
    "tpu.region"() ({
      %run_scoped3A = tpu.sem_alloc : memref<!tpu.dma_semaphore, #tpu.memory_space<semaphore_mem>>
      %dma_start3A_40 = arith.constant 0 : i32
      %dma_start3A_41 = arith.constant 0 : i32
      %dma_start3A_42 = tpu.memref_slice %arg14[%dma_start3A_40, %dma_start3A_41] : memref<10240x128xf32, #tpu.memory_space<vmem_shared>> -> memref<10240x128xf32, #tpu.memory_space<vmem_shared>>
      tpu.enqueue_indirect_dma source(%arg11 : memref<128x128xf32, #tpu.memory_space<vmem>>) target(%dma_start3A_42 : memref<10240x128xf32, #tpu.memory_space<vmem_shared>>) offsets(%arg9 : memref<128xi32, #tpu.memory_space<vmem>>) semaphore(%run_scoped3A : memref<!tpu.dma_semaphore, #tpu.memory_space<semaphore_mem>>) {add = true}
      %dma_wait3A_43 = arith.constant 0 : i32
      %dma_wait3A_44 = arith.constant 0 : i32
      %dma_wait3A_45 = tpu.memref_slice %arg14[%dma_wait3A_43, %dma_wait3A_44] : memref<10240x128xf32, #tpu.memory_space<vmem_shared>> -> memref<10240x128xf32, #tpu.memory_space<vmem_shared>>
      tpu.wait_indirect_dma semaphore(%run_scoped3A : memref<!tpu.dma_semaphore, #tpu.memory_space<semaphore_mem>>) src(%arg11 : memref<128x128xf32, #tpu.memory_space<vmem>>) dst(%dma_wait3A_45 : memref<10240x128xf32, #tpu.memory_space<vmem_shared>>)
      tpu.yield
    }) : () -> ()
    %barrier3A_35 = arith.constant 0 : index
    tpu.barrier barrier_id(%barrier3A_35)
    %mul3A_36 = arith.constant 640 : i32
    %mul3A_37 = arith.muli %arg1, %mul3A_36 : i32
    %mul3A_38 = arith.constant 640 : i32
    %mul3A_39 = arith.muli %arg1, %mul3A_38 : i32
    "tpu.region"() ({
      %run_scoped3A = tpu.sem_alloc : memref<!tpu.dma_semaphore, #tpu.memory_space<semaphore_mem>>
      %dma_start3A_40 = arith.constant 0 : i32
      %dma_start3A_41 = tpu.memref_slice %arg4[%arg0, %mul3A_39, %dma_start3A_40] : memref<2x10240x128xf32, #tpu.memory_space<hbm>> -> memref<1x640x128xf32, #tpu.memory_space<hbm>>
      %dma_start3A_42 = tpu.memref_squeeze %dma_start3A_41 : memref<1x640x128xf32, #tpu.memory_space<hbm>> -> memref<640x128xf32, #tpu.memory_space<hbm>>
      %dma_start3A_43 = arith.constant 0 : i32
      %dma_start3A_44 = tpu.memref_slice %arg14[%mul3A_37, %dma_start3A_43] : memref<10240x128xf32, #tpu.memory_space<vmem_shared>> -> memref<640x128xf32, #tpu.memory_space<vmem_shared>>
      tpu.enqueue_dma source(%dma_start3A_44 : memref<640x128xf32, #tpu.memory_space<vmem_shared>>) target(%dma_start3A_42 : memref<640x128xf32, #tpu.memory_space<hbm>>) target_semaphore(%run_scoped3A : memref<!tpu.dma_semaphore, #tpu.memory_space<semaphore_mem>>)
      %dma_wait3A_45 = arith.constant 0 : i32
      %dma_wait3A_46 = tpu.memref_slice %arg4[%arg0, %mul3A_39, %dma_wait3A_45] : memref<2x10240x128xf32, #tpu.memory_space<hbm>> -> memref<1x640x128xf32, #tpu.memory_space<hbm>>
      %dma_wait3A_47 = tpu.memref_squeeze %dma_wait3A_46 : memref<1x640x128xf32, #tpu.memory_space<hbm>> -> memref<640x128xf32, #tpu.memory_space<hbm>>
      %dma_wait3A_48 = arith.constant 0 : i32
      %dma_wait3A_49 = tpu.memref_slice %arg14[%mul3A_37, %dma_wait3A_48] : memref<10240x128xf32, #tpu.memory_space<vmem_shared>> -> memref<640x128xf32, #tpu.memory_space<vmem_shared>>
      tpu.wait_dma2 semaphore(%run_scoped3A : memref<!tpu.dma_semaphore, #tpu.memory_space<semaphore_mem>>) src(%dma_wait3A_49 : memref<640x128xf32, #tpu.memory_space<vmem_shared>>) dst(%dma_wait3A_47 : memref<640x128xf32, #tpu.memory_space<hbm>>)
      tpu.yield
    }) : () -> ()
    return
  }
}

module attributes {stable_mosaic.version = 14 : i64} {
  func.func @body(%arg0: memref<10000x128xf32, #tpu.memory_space<vmem>>, %arg1: memref<128x128xf32, #tpu.memory_space<vmem>>, %arg2: memref<10000x128xf32, #tpu.memory_space<vmem>>) attributes {dimension_semantics = [], scalar_prefetch = 0 : i64, scratch_operands = 0 : i64, tpu.core_type = #tpu.core_type<tc>} {
    %get3A = arith.constant 0 : index
    %get3A_0 = arith.constant 0 : index
    %get3A_1 = vector.load %arg0[%get3A, %get3A_0] : memref<10000x128xf32, #tpu.memory_space<vmem>>, vector<10000x128xf32>
    %get3A_2 = arith.constant 0 : index
    %get3A_3 = arith.constant 0 : index
    %get3A_4 = vector.load %arg1[%get3A_2, %get3A_3] : memref<128x128xf32, #tpu.memory_space<vmem>>, vector<128x128xf32>
    %dot_general3A = arith.constant dense<0.000000e+00> : vector<10000x128xf32>
    %dot_general3A_5 = tpu.matmul %get3A_1, %get3A_4, %dot_general3A {dimension_numbers = #tpu.dot_dimension_numbers<[1], [0], [0], [1], [0, 0, 1, 1], [], []>, transpose_lhs_hint = false} : vector<10000x128xf32>, vector<128x128xf32>, vector<10000x128xf32> -> vector<10000x128xf32>
    %swap3A = arith.constant 0 : index
    %swap3A_6 = arith.constant 0 : index
    %swap3A_7 = vector.load %arg2[%swap3A, %swap3A_6] : memref<10000x128xf32, #tpu.memory_space<vmem>>, vector<10000x128xf32>
    tpu.vector_store %arg2[%swap3A, %swap3A_6], %dot_general3A_5 {strides = array<i32>} : memref<10000x128xf32, #tpu.memory_space<vmem>>, vector<10000x128xf32>,
    return
  }
}

module attributes {stable_mosaic.version = 14 : i64} {
  func.func @body(%arg0: memref<10000x128xf32, #tpu.memory_space<vmem>>, %arg1: memref<10000x2xf32, #tpu.memory_space<vmem>>, %arg2: memref<10000x128xf32, #tpu.memory_space<vmem>>, %arg3: memref<10000x1xf32, #tpu.memory_space<vmem>>) attributes {dimension_semantics = [], scalar_prefetch = 0 : i64, scratch_operands = 0 : i64, tpu.core_type = #tpu.core_type<tc>} {
    %get3A = arith.constant 0 : index
    %get3A_0 = arith.constant 0 : index
    %get3A_1 = vector.load %arg1[%get3A, %get3A_0] : memref<10000x2xf32, #tpu.memory_space<vmem>>, vector<10000x1xf32>
    %get3A_2 = arith.constant 0 : index
    %get3A_3 = arith.constant 1 : index
    %get3A_4 = vector.load %arg1[%get3A_2, %get3A_3] : memref<10000x2xf32, #tpu.memory_space<vmem>>, vector<10000x1xf32>
    %add3A = arith.addf %get3A_1, %get3A_4 : vector<10000x1xf32>
    %add3A_5 = arith.constant 1.000000e+00 : f32
    %add3A_6 = vector.broadcast %add3A_5 : f32 to vector<10000x1xf32>
    %add3A_7 = arith.addf %add3A, %add3A_6 : vector<10000x1xf32>
    %rsqrt3A = math.rsqrt %add3A_7 : vector<10000x1xf32>
    %swap3A = arith.constant 0 : index
    %swap3A_8 = arith.constant 0 : index
    %swap3A_9 = vector.load %arg3[%swap3A, %swap3A_8] : memref<10000x1xf32, #tpu.memory_space<vmem>>, vector<10000x1xf32>
    tpu.vector_store %arg3[%swap3A, %swap3A_8], %rsqrt3A {strides = array<i32>} : memref<10000x1xf32, #tpu.memory_space<vmem>>, vector<10000x1xf32>,
    %get3A_10 = arith.constant 0 : index
    %get3A_11 = arith.constant 0 : index
    %get3A_12 = vector.load %arg0[%get3A_10, %get3A_11] : memref<10000x128xf32, #tpu.memory_space<vmem>>, vector<10000x128xf32>
    %mul3A = vector.broadcast %rsqrt3A : vector<10000x1xf32> to vector<10000x128xf32>
    %mul3A_13 = arith.mulf %get3A_12, %mul3A : vector<10000x128xf32>
    %swap3A_14 = arith.constant 0 : index
    %swap3A_15 = arith.constant 0 : index
    %swap3A_16 = vector.load %arg2[%swap3A_14, %swap3A_15] : memref<10000x128xf32, #tpu.memory_space<vmem>>, vector<10000x128xf32>
    tpu.vector_store %arg2[%swap3A_14, %swap3A_15], %mul3A_13 {strides = array<i32>} : memref<10000x128xf32, #tpu.memory_space<vmem>>, vector<10000x128xf32>,
    return
  }
}

module attributes {stable_mosaic.version = 14 : i64} {
  func.func @body(%arg0: memref<2x10240x128xf32, #tpu.memory_space<vmem>>, %arg1: memref<10000x128xf32, #tpu.memory_space<vmem>>, %arg2: memref<10000x1xf32, #tpu.memory_space<vmem>>, %arg3: memref<1x128xf32, #tpu.memory_space<vmem>>, %arg4: memref<1x128xf32, #tpu.memory_space<vmem>>, %arg5: memref<1x128xf32, #tpu.memory_space<vmem>>, %arg6: memref<128x128xf32, #tpu.memory_space<vmem>>, %arg7: memref<10000x128xf32, #tpu.memory_space<vmem>>) attributes {dimension_semantics = [], scalar_prefetch = 0 : i64, scratch_operands = 0 : i64, tpu.core_type = #tpu.core_type<tc>} {
    %get3A = arith.constant 0 : index
    %get3A_0 = arith.constant 0 : index
    %get3A_1 = arith.constant 0 : index
    %get3A_2 = vector.load %arg0[%get3A, %get3A_0, %get3A_1] : memref<2x10240x128xf32, #tpu.memory_space<vmem>>, vector<1x10240x128xf32>
    %get3A_3 = vector.shape_cast %get3A_2 : vector<1x10240x128xf32> to vector<10240x128xf32>
    %get3A_4 = arith.constant 1 : index
    %get3A_5 = arith.constant 0 : index
    %get3A_6 = arith.constant 0 : index
    %get3A_7 = vector.load %arg0[%get3A_4, %get3A_5, %get3A_6] : memref<2x10240x128xf32, #tpu.memory_space<vmem>>, vector<1x10240x128xf32>
    %get3A_8 = vector.shape_cast %get3A_7 : vector<1x10240x128xf32> to vector<10240x128xf32>
    %add3A = arith.addf %get3A_3, %get3A_8 : vector<10240x128xf32>
    %slice3A = vector.extract_strided_slice %add3A {offsets = [0, 0], sizes = [10000, 128], strides = [1, 1]} : vector<10240x128xf32> to vector<10000x128xf32>
    %get3A_9 = arith.constant 0 : index
    %get3A_10 = arith.constant 0 : index
    %get3A_11 = vector.load %arg1[%get3A_9, %get3A_10] : memref<10000x128xf32, #tpu.memory_space<vmem>>, vector<10000x128xf32>
    %add3A_12 = arith.addf %slice3A, %get3A_11 : vector<10000x128xf32>
    %get3A_13 = arith.constant 0 : index
    %get3A_14 = arith.constant 0 : index
    %get3A_15 = vector.load %arg2[%get3A_13, %get3A_14] : memref<10000x1xf32, #tpu.memory_space<vmem>>, vector<10000x1xf32>
    %mul3A = vector.broadcast %get3A_15 : vector<10000x1xf32> to vector<10000x128xf32>
    %mul3A_16 = arith.mulf %add3A_12, %mul3A : vector<10000x128xf32>
    %get3A_17 = arith.constant 0 : index
    %get3A_18 = arith.constant 0 : index
    %get3A_19 = vector.load %arg3[%get3A_17, %get3A_18] : memref<1x128xf32, #tpu.memory_space<vmem>>, vector<1x128xf32>
    %add3A_20 = vector.broadcast %get3A_19 : vector<1x128xf32> to vector<10000x128xf32>
    %add3A_21 = arith.addf %mul3A_16, %add3A_20 : vector<10000x128xf32>
    %max3A = arith.constant 0.000000e+00 : f32
    %max3A_22 = vector.broadcast %max3A : f32 to vector<10000x128xf32>
    %max3A_23 = arith.maximumf %add3A_21, %max3A_22 : vector<10000x128xf32>
    %reduce_sum3A = arith.constant dense<0.000000e+00> : vector<128xf32>
    %reduce_sum3A_24 = vector.multi_reduction <add>, %max3A_23, %reduce_sum3A [0] : vector<10000x128xf32> to vector<128xf32>
    %broadcast_in_dim3A = vector.shape_cast %reduce_sum3A_24 : vector<128xf32> to vector<1x128xf32>
    %div3A = arith.constant 1.000000e+04 : f32
    %div3A_25 = vector.broadcast %div3A : f32 to vector<1x128xf32>
    %div3A_26 = arith.divf %broadcast_in_dim3A, %div3A_25 : vector<1x128xf32>
    %sub3A = vector.broadcast %div3A_26 : vector<1x128xf32> to vector<10000x128xf32>
    %sub3A_27 = arith.subf %max3A_23, %sub3A : vector<10000x128xf32>
    %integer_pow3A = arith.mulf %sub3A_27, %sub3A_27 : vector<10000x128xf32>
    %reduce_sum3A_28 = arith.constant dense<0.000000e+00> : vector<128xf32>
    %reduce_sum3A_29 = vector.multi_reduction <add>, %integer_pow3A, %reduce_sum3A_28 [0] : vector<10000x128xf32> to vector<128xf32>
    %broadcast_in_dim3A_30 = vector.shape_cast %reduce_sum3A_29 : vector<128xf32> to vector<1x128xf32>
    %div3A_31 = arith.constant 1.000000e+04 : f32
    %div3A_32 = vector.broadcast %div3A_31 : f32 to vector<1x128xf32>
    %div3A_33 = arith.divf %broadcast_in_dim3A_30, %div3A_32 : vector<1x128xf32>
    %sub3A_34 = vector.broadcast %div3A_26 : vector<1x128xf32> to vector<10000x128xf32>
    %sub3A_35 = arith.subf %max3A_23, %sub3A_34 : vector<10000x128xf32>
    %add3A_36 = arith.constant 9.99999974E-6 : f32
    %add3A_37 = vector.broadcast %add3A_36 : f32 to vector<1x128xf32>
    %add3A_38 = arith.addf %div3A_33, %add3A_37 : vector<1x128xf32>
    %rsqrt3A = math.rsqrt %add3A_38 : vector<1x128xf32>
    %mul3A_39 = vector.broadcast %rsqrt3A : vector<1x128xf32> to vector<10000x128xf32>
    %mul3A_40 = arith.mulf %sub3A_35, %mul3A_39 : vector<10000x128xf32>
    %get3A_41 = arith.constant 0 : index
    %get3A_42 = arith.constant 0 : index
    %get3A_43 = vector.load %arg4[%get3A_41, %get3A_42] : memref<1x128xf32, #tpu.memory_space<vmem>>, vector<1x128xf32>
    %mul3A_44 = vector.broadcast %get3A_43 : vector<1x128xf32> to vector<10000x128xf32>
    %mul3A_45 = arith.mulf %mul3A_40, %mul3A_44 : vector<10000x128xf32>
    %get3A_46 = arith.constant 0 : index
    %get3A_47 = arith.constant 0 : index
    %get3A_48 = vector.load %arg5[%get3A_46, %get3A_47] : memref<1x128xf32, #tpu.memory_space<vmem>>, vector<1x128xf32>
    %add3A_49 = vector.broadcast %get3A_48 : vector<1x128xf32> to vector<10000x128xf32>
    %add3A_50 = arith.addf %mul3A_45, %add3A_49 : vector<10000x128xf32>
    %get3A_51 = arith.constant 0 : index
    %get3A_52 = arith.constant 0 : index
    %get3A_53 = vector.load %arg6[%get3A_51, %get3A_52] : memref<128x128xf32, #tpu.memory_space<vmem>>, vector<128x128xf32>
    %dot_general3A = arith.constant dense<0.000000e+00> : vector<10000x128xf32>
    %dot_general3A_54 = tpu.matmul %add3A_50, %get3A_53, %dot_general3A {dimension_numbers = #tpu.dot_dimension_numbers<[1], [0], [0], [1], [0, 0, 1, 1], [], []>, transpose_lhs_hint = false} : vector<10000x128xf32>, vector<128x128xf32>, vector<10000x128xf32> -> vector<10000x128xf32>
    %get3A_55 = arith.constant 0 : index
    %get3A_56 = arith.constant 0 : index
    %get3A_57 = vector.load %arg2[%get3A_55, %get3A_56] : memref<10000x1xf32, #tpu.memory_space<vmem>>, vector<10000x1xf32>
    %mul3A_58 = vector.broadcast %get3A_57 : vector<10000x1xf32> to vector<10000x128xf32>
    %mul3A_59 = arith.mulf %dot_general3A_54, %mul3A_58 : vector<10000x128xf32>
    %swap3A = arith.constant 0 : index
    %swap3A_60 = arith.constant 0 : index
    %swap3A_61 = vector.load %arg7[%swap3A, %swap3A_60] : memref<10000x128xf32, #tpu.memory_space<vmem>>, vector<10000x128xf32>
    tpu.vector_store %arg7[%swap3A, %swap3A_60], %mul3A_59 {strides = array<i32>} : memref<10000x128xf32, #tpu.memory_space<vmem>>, vector<10000x128xf32>,
    return
  }
}

module attributes {stable_mosaic.version = 14 : i64} {
  func.func @body(%arg0: memref<2x10240x128xf32, #tpu.memory_space<vmem>>, %arg1: memref<10000x128xf32, #tpu.memory_space<vmem>>, %arg2: memref<10000x1xf32, #tpu.memory_space<vmem>>, %arg3: memref<1x128xf32, #tpu.memory_space<vmem>>, %arg4: memref<128x1xf32, #tpu.memory_space<vmem>>, %arg5: memref<1x1xf32, #tpu.memory_space<vmem>>, %arg6: memref<10000x1xf32, #tpu.memory_space<vmem>>) attributes {dimension_semantics = [], scalar_prefetch = 0 : i64, scratch_operands = 0 : i64, tpu.core_type = #tpu.core_type<tc>} {
    %get3A = arith.constant 0 : index
    %get3A_0 = arith.constant 0 : index
    %get3A_1 = arith.constant 0 : index
    %get3A_2 = vector.load %arg0[%get3A, %get3A_0, %get3A_1] : memref<2x10240x128xf32, #tpu.memory_space<vmem>>, vector<1x10240x128xf32>
    %get3A_3 = vector.shape_cast %get3A_2 : vector<1x10240x128xf32> to vector<10240x128xf32>
    %get3A_4 = arith.constant 1 : index
    %get3A_5 = arith.constant 0 : index
    %get3A_6 = arith.constant 0 : index
    %get3A_7 = vector.load %arg0[%get3A_4, %get3A_5, %get3A_6] : memref<2x10240x128xf32, #tpu.memory_space<vmem>>, vector<1x10240x128xf32>
    %get3A_8 = vector.shape_cast %get3A_7 : vector<1x10240x128xf32> to vector<10240x128xf32>
    %add3A = arith.addf %get3A_3, %get3A_8 : vector<10240x128xf32>
    %slice3A = vector.extract_strided_slice %add3A {offsets = [0, 0], sizes = [10000, 128], strides = [1, 1]} : vector<10240x128xf32> to vector<10000x128xf32>
    %get3A_9 = arith.constant 0 : index
    %get3A_10 = arith.constant 0 : index
    %get3A_11 = vector.load %arg1[%get3A_9, %get3A_10] : memref<10000x128xf32, #tpu.memory_space<vmem>>, vector<10000x128xf32>
    %add3A_12 = arith.addf %slice3A, %get3A_11 : vector<10000x128xf32>
    %get3A_13 = arith.constant 0 : index
    %get3A_14 = arith.constant 0 : index
    %get3A_15 = vector.load %arg2[%get3A_13, %get3A_14] : memref<10000x1xf32, #tpu.memory_space<vmem>>, vector<10000x1xf32>
    %mul3A = vector.broadcast %get3A_15 : vector<10000x1xf32> to vector<10000x128xf32>
    %mul3A_16 = arith.mulf %add3A_12, %mul3A : vector<10000x128xf32>
    %get3A_17 = arith.constant 0 : index
    %get3A_18 = arith.constant 0 : index
    %get3A_19 = vector.load %arg3[%get3A_17, %get3A_18] : memref<1x128xf32, #tpu.memory_space<vmem>>, vector<1x128xf32>
    %add3A_20 = vector.broadcast %get3A_19 : vector<1x128xf32> to vector<10000x128xf32>
    %add3A_21 = arith.addf %mul3A_16, %add3A_20 : vector<10000x128xf32>
    %max3A = arith.constant 0.000000e+00 : f32
    %max3A_22 = vector.broadcast %max3A : f32 to vector<10000x128xf32>
    %max3A_23 = arith.maximumf %add3A_21, %max3A_22 : vector<10000x128xf32>
    %get3A_24 = arith.constant 0 : index
    %get3A_25 = arith.constant 0 : index
    %get3A_26 = vector.load %arg4[%get3A_24, %get3A_25] : memref<128x1xf32, #tpu.memory_space<vmem>>, vector<128x1xf32>
    %dot_general3A = arith.constant dense<0.000000e+00> : vector<10000x1xf32>
    %dot_general3A_27 = tpu.matmul %max3A_23, %get3A_26, %dot_general3A {dimension_numbers = #tpu.dot_dimension_numbers<[1], [0], [0], [1], [0, 0, 1, 1], [], []>, transpose_lhs_hint = false} : vector<10000x128xf32>, vector<128x1xf32>, vector<10000x1xf32> -> vector<10000x1xf32>
    %get3A_28 = arith.constant 0 : index
    %get3A_29 = arith.constant 0 : index
    %get3A_30 = vector.load %arg5[%get3A_28, %get3A_29] : memref<1x1xf32, #tpu.memory_space<vmem>>, vector<1x1xf32>
    %add3A_31 = vector.broadcast %get3A_30 : vector<1x1xf32> to vector<10000x1xf32>
    %add3A_32 = arith.addf %dot_general3A_27, %add3A_31 : vector<10000x1xf32>
    %logistic3A = arith.negf %add3A_32 : vector<10000x1xf32>
    %logistic3A_33 = math.exp %logistic3A : vector<10000x1xf32>
    %logistic3A_34 = arith.constant 1.000000e+00 : f32
    %logistic3A_35 = vector.broadcast %logistic3A_34 : f32 to vector<10000x1xf32>
    %logistic3A_36 = arith.addf %logistic3A_35, %logistic3A_33 : vector<10000x1xf32>
    %logistic3A_37 = arith.divf %logistic3A_35, %logistic3A_36 : vector<10000x1xf32>
    %swap3A = arith.constant 0 : index
    %swap3A_38 = arith.constant 0 : index
    %swap3A_39 = vector.load %arg6[%swap3A, %swap3A_38] : memref<10000x1xf32, #tpu.memory_space<vmem>>, vector<10000x1xf32>
    tpu.vector_store %arg6[%swap3A, %swap3A_38], %logistic3A_37 {strides = array<i32>} : memref<10000x1xf32, #tpu.memory_space<vmem>>, vector<10000x1xf32>,
    return
  }
}

</mosaic_0001>

<sc_bundles>
// kernel: kernel.12.cloned.1.call-start
scs
__scs_entry_jumppad:
0x0: {  	(pc) =	sbr.rel $0x88, $3  }
0x1: {  	(tag) =	ssettag $0x0;
	lr =	simm.s32 $0x1  }
0x2: {  	[smem:$0x3F97] =	sst lr;
	_ =	strace $0xD0000000  }
0x3: {  	_ = 	snop  }
0x4: {  	_ = 	snop  }
0x5: {  	_ = 	snop  }
0x6: {  	_ = 	snop  }
0x7: {  	_ = 	snop  }
__scs_overlays_trampoline_lowered:
0x8: {  	[smem:$0x3FA6] =	sst s0  }
0x9: {  	[smem:$0x3FA7] =	sst s1  }
0xa: {  	[smem:$0x3FA8] =	sst s2  }
0xb: {  	[smem:$0x3FA9] =	sst s3  }
0xc: {  	[smem:$0x3FAA] =	sst s4  }
0xd: {  	[smem:$0x3FAB] =	sst s5  }
0xe: {  	[smem:$0x3FAC] =	sst s6  }
0xf: {  	[smem:$0x3FAD] =	sst s7  }
0x10: {  	[smem:$0x3FAE] =	sst s8  }
0x11: {  	[smem:$0x3FAF] =	sst s9;
	s0 =	simm.s32 @!p0 $0x0  }
0x12: {  	s1 =	sld [smem:$0x3F95];
	s0 =	simm.s32 @p0 $0x1  }
0x13: {  	[smem:$0x3FB0] =	sst s0;
	s0 =	simm.s32 @!p1 $0x0  }
0x14: {  	s2 =	sld [smem:$0x3F94];
	s0 =	simm.s32 @p1 $0x1  }
0x15: {  	[smem:$0x3FB1] =	sst s0;
	s0 =	simm.s32 @!p2 $0x0  }
0x16: {  	s3 =	sld [smem:$0x3FDB];
	s0 =	simm.s32 @p2 $0x1  }
0x17: {  	s4 =	simm.s32 $0x1BF5;
	[smem:$0x3FB3] =	sst s0  }
0x18: {  	s0 =	sld [smem:$0x3F96];
	_ =	swait.ge [sflag:s4], $0x0  }
0x19: {  	s7 =	sld [smem:$0x3F97]  }
0x1a: {  	s8 =	sadd.s32 $0xFFFFE003, lr  }
0x1b: {  	s9 =	sadd.s32 $0xFFFFFEF7, lr;
	s5 =	simm.s32 $0xFFFFFFFF;
	p2 =	slt.u32 s8, $0xFFFFF086  }
0x1c: {  	p1 =	slt.u32 s9, $0xF7A;
	s5 =	simm.s32 @!p2 $0x0  }
0x1d: {  	s5 =	simm.s32 @p1 $0x1;
	p0 =	seq.s32 s7, s2  }
0x1e: {  	s7 =	smul.u32 @!p0 $0xF7A, s2;
	p2 =	seq.s32 @!p0 s5, $0x0  }
0x1f: {  	s9 =	smul.u32 $0xF7A, s1;
	s8 =	simm.s32 @!p0 $0x1BF5;
	p2 =	por !p2, p0  }
0x20: {  	[sflag:s8] =	ssyncset.s32 @!p0 $0xFFFFF086;
	s6 =	sadd.s32 @!p0 s3, s7;
	s7 =	simm.s32 @!p0 $0x108  }
0x21: {  	s3 =	sadd.s32 s3, s9;
	s6 =	sadd.s32 @!p0 $0x88, s6;
	s7 =	simm.s32 @p2 $0x1082  }
0x22: {  	[simem:s7], [sflag:s8] =	dma.local @!p0 [hbm:s6], $0xF7A  }
0x23: {  	s9 =	sor.u32 $0xD0000000, s2;
	s6 =	simm.s32 $0x108;
	_ =	swait.ge @!p0 [sflag:s8], $0x0  }
0x24: {  	s3 =	sadd.s32 $0x88, s3;
	s6 =	simm.s32 @!p1 $0x1082;
	[sflag:s4] =	ssyncset.s32 $0xFFFFF086  }
0x25: {  	[simem:s6], [sflag:s4] =	dma.local [hbm:s3], $0xF7A  }
0x26: {  	[smem:$0x3F97] =	sst s1;
	(tag) =	ssettag s2;
	_ =	strace s9  }
0x27: {  	s1 =	sld [smem:$0x3FA7]  }
0x28: {  	s2 =	sld [smem:$0x3FA8]  }
0x29: {  	s4 =	sld [smem:$0x3FAA]  }
0x2a: {  	p0 =	seq.s32 s5, $0x0;
	s5 =	sld [smem:$0x3FAB]  }
0x2b: {  	s6 =	sld [smem:$0x3FAC]  }
0x2c: {  	s7 =	sld [smem:$0x3FAD]  }
0x2d: {  	s3 =	simm.s32 $0x108;
	s8 =	sld [smem:$0x3FAE]  }
0x2e: {  	s3 =	simm.s32 @!p0 $0x1082;
	s9 =	sld [smem:$0x3FAF]  }
0x2f: {  	lr =	sadd.s32 s0, s3;
	s0 =	sld [smem:$0x3FA6]  }
0x30: {  	s3 =	sld [smem:$0x3FA9]  }
0x31: {  	[smem:$0x3FB2] =	sst s10  }
0x32: {  	s10 =	sld [smem:$0x3FB0];
	_ =	sdelay $0x3  }
0x33: {  	p0 =	seq.s32 s10, $0x1;
	s10 =	sld [smem:$0x3FB2];
	_ =	sdelay $0x3  }
0x34: {  	[smem:$0x3FB2] =	sst s10  }
0x35: {  	s10 =	sld [smem:$0x3FB1];
	_ =	sdelay $0x3  }
0x36: {  	p1 =	seq.s32 s10, $0x1;
	s10 =	sld [smem:$0x3FB2];
	_ =	sdelay $0x3  }
0x37: {  	[smem:$0x3FB2] =	sst s10  }
0x38: {  	s10 =	sld [smem:$0x3FB3]  }
0x39: {  	_ = 	snop;
	(pc) =	sbr.ind lr, $3  }
0x3a: {  	_ = 	snop  }
0x3b: {  	_ = 	snop  }
0x3c: {  	p2 =	seq.s32 s10, $0x1;
	s10 =	sld [smem:$0x3FB2]  }
0x3d: {  	_ =	shalt  }
0x3e: {  	_ =	shalt  }
0x3f: {  	_ =	shalt  }
0x40: {  	_ =	shalt  }
0x41: {  	_ =	shalt  }
0x42: {  	_ =	shalt  }
0x43: {  	_ =	shalt  }
0x44: {  	_ =	shalt  }
0x45: {  	_ =	shalt  }
0x46: {  	_ =	shalt  }
0x47: {  	_ =	shalt  }
0x48: {  	_ =	shalt  }
0x49: {  	_ =	shalt  }
0x4a: {  	_ =	shalt  }
0x4b: {  	_ =	shalt  }
0x4c: {  	_ =	shalt  }
0x4d: {  	_ =	shalt  }
0x4e: {  	_ =	shalt  }
0x4f: {  	_ =	shalt  }
0x50: {  	_ =	shalt  }
0x51: {  	_ =	shalt  }
0x52: {  	_ =	shalt  }
0x53: {  	_ =	shalt  }
0x54: {  	_ =	shalt  }
0x55: {  	_ =	shalt  }
0x56: {  	_ =	shalt  }
0x57: {  	_ =	shalt  }
0x58: {  	_ =	shalt  }
0x59: {  	_ =	shalt  }
0x5a: {  	_ =	shalt  }
0x5b: {  	_ =	shalt  }
0x5c: {  	_ =	shalt  }
0x5d: {  	_ =	shalt  }
0x5e: {  	_ =	shalt  }
0x5f: {  	_ =	shalt  }
0x60: {  	_ =	shalt  }
0x61: {  	_ =	shalt  }
0x62: {  	_ =	shalt  }
0x63: {  	_ =	shalt  }
0x64: {  	_ =	shalt  }
0x65: {  	_ =	shalt  }
0x66: {  	_ =	shalt  }
0x67: {  	_ =	shalt  }
0x68: {  	_ =	shalt  }
0x69: {  	_ =	shalt  }
0x6a: {  	_ =	shalt  }
0x6b: {  	_ =	shalt  }
0x6c: {  	_ =	shalt  }
0x6d: {  	_ =	shalt  }
0x6e: {  	_ =	shalt  }
0x6f: {  	_ =	shalt  }
0x70: {  	_ =	shalt  }
0x71: {  	_ =	shalt  }
0x72: {  	_ =	shalt  }
0x73: {  	_ =	shalt  }
0x74: {  	_ =	shalt  }
0x75: {  	_ =	shalt  }
0x76: {  	_ =	shalt  }
0x77: {  	_ =	shalt  }
0x78: {  	_ =	shalt  }
0x79: {  	_ =	shalt  }
0x7a: {  	_ =	shalt  }
0x7b: {  	_ =	shalt  }
0x7c: {  	_ =	shalt  }
0x7d: {  	_ =	shalt  }
0x7e: {  	_ =	shalt  }
0x7f: {  	_ =	shalt  }
0x80: {  	_ =	shalt  }
0x81: {  	_ =	shalt  }
0x82: {  	_ =	shalt  }
0x83: {  	_ =	shalt  }
0x84: {  	_ =	shalt  }
0x85: {  	_ =	shalt  }
0x86: {  	_ =	shalt  }
0x87: {  	_ =	shalt  }
.Lfunc_end0:
.L_simem_size_0:
called_computation.1_lowered:
.L_overlay_start_0:
0x88: {  	s2 =	sld [smem:$0x3FD9]  }
0x89: {  	s3 =	sld [smem:$0x3FFE];
	_ =	sdelay $0x1  }
0x8a: {  	s1 =	srdreg.scid  }
0x8b: {  	s0 =	sand.u32 $0x1, s1  }
0x8c: {  	s16 =	sshll.u32 s0, $0xA;
	s2 =	sadd.s32 s3, s2  }
0x8d: {  	s2 =	sadd.s32 s2, s16  }
0x8e: {  	[smem:$0x3FBE] =	sst s2  }
0x8f: {  	_ = 	snop  }
0x90: {  	(tm) =	ssettm $0x1  }
0x91: {  	s17 =	sld [smem:$0x3FFB];
	_ =	sdelay $0x3  }
0x92: {  	_ =	strace s17  }
0x93: {  	s2 =	sld [smem:$0x3FFC];
	_ =	sdelay $0x3  }
0x94: {  	_ =	strace s2  }
0x95: {  	s2 =	sld [smem:$0x3FFD];
	_ =	sdelay $0x3  }
0x96: {  	_ =	strace s2  }
0x97: {  	_ =	strace $0x8FFFFFFF  }
0x98: {  	s18 =	sld [smem:$0x3FDB];
	_ =	sdelay $0x1  }
0x99: {  	s19 =	simm.s32 $_scs_section_size  }
0x9a: {  	s4 =	simm.s32 $_size__tile_overlayer_lowered;
	s5 =	simm.s32 $_tile_overlayer_lowered  }
0x9b: {  	s22 =	simm.s32 $0x1BFF;
	s21 =	sshll.u32 s5, $0x1;
	s2 =	sadd.s32 s19, s18  }
0x9c: {  	s6 =	simm.s32 $0x0;
	s20 =	sshll.u32 s4, $0x1;
	s4 =	sadd.s32 s21, s2  }
0x9d: {  	[timem:s6], [sflag:s22] =	dma.local [hbm:s4], s20  }
0x9e: {  	_ =	swait.ge [sflag:s22], s20  }
0x9f: {  	s3 =	ssub.s32 $0x0, s20;
	[sflag:s22] =	ssyncset.done $0x0  }
0xa0: {  	[sflag:s22] =	ssyncadd.s32 s3;
	_ =	sdelay $0x1  }
0xa1: {  	s23 =	simm.s32 $0x1B8B  }
0xa2: {  	_ =	swait.ge [sflag:s23], $0x1  }
0xa3: {  	[sflag:s23] =	ssyncset.done $0x0  }
0xa4: {  	s25 =	simm.s32 $0x1B8E;
	s24 =	sld [smem:$0x3FFE];
	[sflag:s23] =	ssyncadd.s32 $0xFFFFFFFF  }
0xa5: {  	s26 =	simm.s32 $execute0_lowered;
	[smem:$0x3FD2] =	sst s25  }
0xa6: {  	s4 =	sshll.u32 s26, $0x1;
	_ =	strace $0x80000049;
	[dreg:$0x1] =	wrdreg $0xFFFFFFFF  }
0xa7: {  	s28 =	simm.s32 $_size_execute0_lowered;
	s2 =	sadd.s32 s2, s4;
	[dreg:$0x0] =	wrdreg $0x0  }
0xa8: {  	s4 =	sshll.u32 s28, $0x1;
	[dreg:$0x2] =	wrdreg s2  }
0xa9: {  	[dreg:$0x3] =	wrdreg s4  }
0xaa: {  	[dreg:$0x4] =	wrdreg $0xC0  }
0xab: {  	_ =	task [dreg:s6], $0x5FFFF  }
0xac: {  	[dreg:$0x1] =	wrdreg $0xFFFFFFFF  }
0xad: {  	[dreg:$0x0] =	wrdreg $0x60  }
0xae: {  	[dreg:$0x2] =	wrdreg s24  }
0xaf: {  	[dreg:$0x3] =	wrdreg $0xAA000  }
0xb0: {  	[dreg:$0x4] =	wrdreg $0x9  }
0xb1: {  	_ =	task.clear_ibuf [dreg:s6], $0x5FFFF;
	_ =	strace $0x90000049  }
0xb2: {  	s29 =	simm.s32 $0x9;
	_ =	strace $0x8000004B  }
0xb3: {  	_ =	swait.ge [sflag:s29], $0x1  }
0xb4: {  	[sflag:s29] =	ssyncadd.s32 $0xFFFFFFFF  }
0xb5: {  	_ =	strace $0x9000004B  }
0xb6: {  	_ =	sfence  }
0xb7: {  	s30 =	sld [smem:$0x0];
	_ =	sdelay $0x2  }
0xb8: {  	s31 =	sshll.u32 s1, $0xD;
	s1 =	sshrl.u32 s1, $0x2  }
0xb9: {  	s3 =	sand.u32 $0x4000, s31;
	s1 =	sadd.s32 s1, s30  }
0xba: {  	s0 =	sor.u32 s3, s0;
	s1 =	sshll.u32 s1, $0x11  }
0xbb: {  	s0 =	sor.u32 s1, s0  }
0xbc: {  	s0 =	sadd.s32 $0x8F2B, s0  }
0xbd: {  	[sflag:s0] =	ssyncadd.remote.s32 $0x1  }
0xbe: {  	_ =	sfence.sel $0xFFFF  }
0xbf: {  	[dreg:$0x0] =	wrdreg $0xFFFFFFFF;
	(pc) =	sbr.abs _section_cstart, $3  }
0xc0: {  	[dreg:$0x1] =	wrdreg $0xFFFFFFFF  }
0xc1: {  	_ =	task.clear_ibuf [dreg:s6], $0x2FFFF;
	_ =	strace $0x9FFFFFFF  }
0xc2: {  	(tm) =	ssettm $0x7FFFFFFF  }
0xc3: {  	_ =	shalt  }
tec
execute0_lowered:
.L_overlay_start_1:
0x0: {  	(tag) =	ssettag $0x1  }
0x1: {  	s6 =	rddreg [dreg:$0x0]  }
0x2: {  	s0 =	srdreg.scid;
	s2 =	rddreg [dreg:$0x1];
	s13 =	simm.s32 $0x80  }
0x3: {  	s14 =	simm.s32 $0x400;
	s15 =	simm.s32 $0x3;
	s16 =	simm.s32 $0x2A00  }
0x4: {  	s17 =	simm.s32 $0x2800;
	s18 =	simm.s32 $0x2880;
	s19 =	simm.s32 $0x6A00  }
0x5: {  	s20 =	simm.s32 $0x1;
	s21 =	simm.s32 $0x2900;
	s5 =	sand.u32 $0x1, s0  }
0x6: {  	s22 =	simm.s32 $0x2;
	s0 =	stileid.u32;
	s8 =	smul.u32 $0x140000, s5  }
0x7: {  	s23 =	simm.s32 $0x2980;
	s26 =	simm.s32 $0x0;
	s10 =	smul.u32 $0x14000, s0  }
0x8: {  	s1 =	sshll.u32 s5, $0x4;
	s4 =	sshll.u32 s0, $0x7;
	s29 =	smul.u32 $0x50000, s0  }
0x9: {  	s5 =	ssub.s32 $0x2, s5;
	s24 =	sshll.u32 s0, $0x6;
	s1 =	sor.u32 s0, s1  }
0xa: {  	s9 =	sand.u32 $0x380, s4;
	s4 =	sadd.s32 $0x2A00, s6;
	s3 =	sshrl.u32 s1, $0x3  }
0xb: {  	s30 =	sshrl.u32 s5, $0x1;
	s24 =	sor.u32 $0x1C03, s24;
	s7 =	smul.u32 $0x14000, s3  }
0xc: {  	s1 =	rddreg [dreg:$0x2];
	s8 =	sadd.s32 s10, s8;
	s31 =	ssub.s32 s5, s30  }
0xd: {  	s3 =	simm.s32 $0x0;
	s8 =	sshrl.u32 s8, $0x3;
	s7 =	sor.u32 s9, s7  }
0xe: {  	[smem:$0x7FF] =	sst s3;
	s8 =	sadd.s32 s8, s6;
	s7 =	sshrl.u32 s7, $0x3  }
0xf: {  	_ =	strace $0x8000004A;
	s9 =	sshrl.u32 s29, $0x2;
	s7 =	sadd.s32 s7, s6  }
0x10: {  	s6 =	sadd.s32 s9, s2;
	s5 =	sadd.s32 $0x52A00, s7;
	s7 =	sadd.s32 $0x5CA00, s8  }
0x11: {  	s8 =	smax.u32 s31, $0x1;
	s9 =	sadd.s32 $0x4000, s6;
	s10 =	sadd.s32 $0x8000, s6  }
0x12: {  	v0 =	vimm.f32 $0.0e+00;
	s11 =	sadd.s32 $0xC000, s6;
	s12 =	sadd.s32 $0x10000, s6;
	s25 =	sshrl.u32 s6, $0x3  }
.LBB2_1:
0x13: {  	[tilespmem:s3], [sflag:$0x3] =	stream.strided.gather [hbm4b:s5+s13], $0x2800, s14, s13, $0x38;
	[tilespmem:$0x1EA00] =	vst v63  }
0x14: {  	_ =	swait.ge [sflag:s15], $0x2800  }
0x15: {  	[sflag:s15] =	ssyncset.done $0x0  }
0x16: {  	s28 =	simm.s32 $0x0;
	s29 =	simm.s32 $0x200;
	[sflag:s15] =	ssyncadd.s32 $0xFFFFD800  }
.LBB2_2:
0x17: {  	p0 =	sne.s32 s29, $0xFE00;
	[tilespmem:s28+$0x2A70] =	vst v0  }
0x18: {  	[tilespmem:s28+$0x2A00] =	vst v0  }
0x19: {  	[tilespmem:s28+$0x2A10] =	vst v0  }
.Ltmp0:
0x1a: {  	[tilespmem:s28+$0x2A20] =	vst v0;
	(pc) =	sbr.rel @p0 .LBB2_2-.Ltmp0, $4  }
0x1b: {  	[tilespmem:s28+$0x2A30] =	vst v0  }
0x1c: {  	[tilespmem:s28+$0x2A40] =	vst v0  }
0x1d: {  	[tilespmem:s28+$0x2A50] =	vst v0  }
0x1e: {  	[tilespmem:s28+$0x2A60] =	vst v0;
	s28 =	sshra.s32 s29, $0x2;
	s29 =	sadd.s32 $0x200, s29  }
0x1f: {  	[tilespmem:s28+$0x2A70] =	vst v0  }
0x20: {  	[tilespmem:s28+$0x2A00] =	vst v0  }
0x21: {  	[tilespmem:s28+$0x2A10] =	vst v0  }
0x22: {  	[tilespmem:s28+$0x2A20] =	vst v0  }
0x23: {  	[tilespmem:s28+$0x2A30] =	vst v0  }
0x24: {  	[tilespmem:s28+$0x2A40] =	vst v0  }
0x25: {  	[tilespmem:s28+$0x2A50] =	vst v0  }
0x26: {  	[tilespmem:s28+$0x2A60] =	vst v0  }
0x27: {  	[spmem:s6] =	stream.linear.scatter [tilespmem:s16], [sflag:$0x3], $0x4000, $0x38;
	[tilespmem:$0x1EA00] =	vst v63  }
0x28: {  	_ =	swait.ge [sflag:s15], $0x4000  }
0x29: {  	[sflag:s15] =	ssyncset.done $0x0  }
0x2a: {  	[sflag:s15] =	ssyncadd.s32 $0xFFFFC000  }
0x2b: {  	[spmem:s9] =	stream.linear.scatter [tilespmem:s16], [sflag:$0x3], $0x4000, $0x38;
	[tilespmem:$0x1EA00] =	vst v63  }
0x2c: {  	_ =	swait.ge [sflag:s15], $0x4000  }
0x2d: {  	[sflag:s15] =	ssyncset.done $0x0  }
0x2e: {  	[sflag:s15] =	ssyncadd.s32 $0xFFFFC000  }
0x2f: {  	[spmem:s10] =	stream.linear.scatter [tilespmem:s16], [sflag:$0x3], $0x4000, $0x38;
	[tilespmem:$0x1EA00] =	vst v63  }
0x30: {  	_ =	swait.ge [sflag:s15], $0x4000  }
0x31: {  	[sflag:s15] =	ssyncset.done $0x0  }
0x32: {  	[sflag:s15] =	ssyncadd.s32 $0xFFFFC000  }
0x33: {  	[spmem:s11] =	stream.linear.scatter [tilespmem:s16], [sflag:$0x3], $0x4000, $0x38;
	[tilespmem:$0x1EA00] =	vst v63  }
0x34: {  	_ =	swait.ge [sflag:s15], $0x4000  }
0x35: {  	[sflag:s15] =	ssyncset.done $0x0  }
0x36: {  	[sflag:s15] =	ssyncadd.s32 $0xFFFFC000  }
0x37: {  	[spmem:s12] =	stream.linear.scatter [tilespmem:s16], [sflag:$0x3], $0x4000, $0x38;
	[tilespmem:$0x1EA00] =	vst v63  }
0x38: {  	_ =	swait.ge [sflag:s15], $0x4000  }
0x39: {  	[sflag:s15] =	ssyncset.done $0x0  }
0x3a: {  	[sflag:s15] =	ssyncadd.s32 $0xFFFFC000  }
0x3b: {  	[bflag:$0x0] =	sbarrier.arrive $0xFFFF  }
0x3c: {  	v1 =	vld [tilespmem:$0x0];
	_ =	sdelay $0x1  }
0x3d: {  	v2 =	vld [tilespmem:$0x10];
	_ =	sdelay $0x1  }
0x3e: {  	v3 =	vld [tilespmem:$0x20]  }
0x3f: {  	v4 =	vand.u32 $0xFFFF, v1  }
0x40: {  	v62 =	vld [tilespmem:$0x30];
	v1 =	vshrl.u32 v1, $0x10;
	[tilespmem:$0x2800] =	vst v4  }
0x41: {  	[tilespmem:$0x2900] =	vst v1;
	v1 =	vand.u32 $0xFFFF, v2  }
0x42: {  	[tilespmem:$0x2810] =	vst v1;
	v1 =	vshrl.u32 v2, $0x10;
	v2 =	vld [tilespmem:$0x40]  }
0x43: {  	[tilespmem:$0x2910] =	vst v1;
	v1 =	vand.u32 $0xFFFF, v3  }
0x44: {  	[tilespmem:$0x2820] =	vst v1;
	v1 =	vshrl.u32 v3, $0x10;
	v3 =	vld [tilespmem:$0x50]  }
0x45: {  	[tilespmem:$0x2920] =	vst v1;
	v1 =	vand.u32 $0xFFFF, v62  }
0x46: {  	v63 =	vld [tilespmem:$0x60];
	[tilespmem:$0x2830] =	vst v1;
	v1 =	vshrl.u32 v62, $0x10  }
0x47: {  	[tilespmem:$0x2930] =	vst v1;
	v1 =	vand.u32 $0xFFFF, v2  }
0x48: {  	[tilespmem:$0x2840] =	vst v1;
	v1 =	vshrl.u32 v2, $0x10;
	v2 =	vld [tilespmem:$0x70]  }
0x49: {  	[tilespmem:$0x2940] =	vst v1;
	v1 =	vand.u32 $0xFFFF, v3  }
0x4a: {  	[tilespmem:$0x2850] =	vst v1;
	v1 =	vshrl.u32 v3, $0x10  }
0x4b: {  	[tilespmem:$0x2950] =	vst v1;
	v1 =	vand.u32 $0xFFFF, v63  }
0x4c: {  	[tilespmem:$0x2860] =	vst v1;
	v1 =	vshrl.u32 v63, $0x10  }
0x4d: {  	[tilespmem:$0x2960] =	vst v1;
	v1 =	vand.u32 $0xFFFF, v2  }
0x4e: {  	[tilespmem:$0x2870] =	vst v1;
	v1 =	vshrl.u32 v2, $0x10  }
0x4f: {  	s28 =	simm.s32 $0x0;
	[tilespmem:$0x2970] =	vst v1  }
0x50: {  	[tilespmem:s16], [sflag:$0x1] =	stream.indirect.gather [hbm4b:s4+s13], $0x80, s17, s13, $0xb8;
	[tilespmem:$0x1EA00] =	vst v63  }
0x51: {  	v1 =	vld [tilespmem:s28+$0x80];
	_ =	sdelay $0x4  }
0x52: {  	v2 =	vand.u32 $0xFFFF, v1  }
0x53: {  	v1 =	vshrl.u32 v1, $0x10;
	[tilespmem:$0x2880] =	vst v2  }
0x54: {  	[tilespmem:$0x2980] =	vst v1  }
0x55: {  	v1 =	vld [tilespmem:s28+$0x90];
	_ =	sdelay $0x4  }
0x56: {  	v2 =	vand.u32 $0xFFFF, v1  }
0x57: {  	v1 =	vshrl.u32 v1, $0x10;
	[tilespmem:$0x2890] =	vst v2  }
0x58: {  	[tilespmem:$0x2990] =	vst v1  }
0x59: {  	v1 =	vld [tilespmem:s28+$0xA0];
	_ =	sdelay $0x4  }
0x5a: {  	v2 =	vand.u32 $0xFFFF, v1  }
0x5b: {  	v1 =	vshrl.u32 v1, $0x10;
	[tilespmem:$0x28A0] =	vst v2  }
0x5c: {  	[tilespmem:$0x29A0] =	vst v1  }
0x5d: {  	v1 =	vld [tilespmem:s28+$0xB0];
	_ =	sdelay $0x4  }
0x5e: {  	v2 =	vand.u32 $0xFFFF, v1  }
0x5f: {  	v1 =	vshrl.u32 v1, $0x10;
	[tilespmem:$0x28B0] =	vst v2  }
0x60: {  	[tilespmem:$0x29B0] =	vst v1  }
0x61: {  	v1 =	vld [tilespmem:s28+$0xC0];
	_ =	sdelay $0x4  }
0x62: {  	v2 =	vand.u32 $0xFFFF, v1  }
0x63: {  	v1 =	vshrl.u32 v1, $0x10;
	[tilespmem:$0x28C0] =	vst v2  }
0x64: {  	[tilespmem:$0x29C0] =	vst v1  }
0x65: {  	v1 =	vld [tilespmem:s28+$0xD0];
	_ =	sdelay $0x4  }
0x66: {  	v2 =	vand.u32 $0xFFFF, v1  }
0x67: {  	v1 =	vshrl.u32 v1, $0x10;
	[tilespmem:$0x28D0] =	vst v2  }
0x68: {  	[tilespmem:$0x29D0] =	vst v1  }
0x69: {  	v1 =	vld [tilespmem:s28+$0xE0];
	_ =	sdelay $0x4  }
0x6a: {  	v2 =	vand.u32 $0xFFFF, v1  }
0x6b: {  	v1 =	vshrl.u32 v1, $0x10;
	[tilespmem:$0x28E0] =	vst v2  }
0x6c: {  	[tilespmem:$0x29E0] =	vst v1  }
0x6d: {  	v1 =	vld [tilespmem:s28+$0xF0];
	_ =	sdelay $0x4  }
0x6e: {  	v2 =	vand.u32 $0xFFFF, v1  }
0x6f: {  	v1 =	vshrl.u32 v1, $0x10;
	[tilespmem:$0x28F0] =	vst v2  }
0x70: {  	[tilespmem:$0x29F0] =	vst v1  }
0x71: {  	[tilespmem:s19], [sflag:$0x2] =	stream.indirect.gather [hbm4b:s4+s13], $0x80, s18, s13, $0xb8;
	[tilespmem:$0x1EA00] =	vst v63  }
0x72: {  	_ =	swait.ge [sflag:s20], $0x4000  }
0x73: {  	[sflag:s20] =	ssyncset.done $0x0  }
0x74: {  	[sflag:s20] =	ssyncadd.s32 $0xFFFFC000  }
0x75: {  	[spmem:s2] =	stream.indirect.scatter.add.f32 [tilespmem:s16], [sflag:$0x3], $0x80, s21, s13, $0xb8;
	[tilespmem:$0x1EA00] =	vst v63  }
0x76: {  	_ =	swait.ge [sflag:s15], $0x4000  }
0x77: {  	[sflag:s15] =	ssyncset.done $0x0  }
0x78: {  	[sflag:s15] =	ssyncadd.s32 $0xFFFFC000  }
0x79: {  	v1 =	vld [tilespmem:s28+$0x100];
	_ =	sdelay $0x4  }
0x7a: {  	v2 =	vand.u32 $0xFFFF, v1  }
0x7b: {  	v1 =	vshrl.u32 v1, $0x10;
	[tilespmem:$0x2800] =	vst v2  }
0x7c: {  	[tilespmem:$0x2900] =	vst v1  }
0x7d: {  	v1 =	vld [tilespmem:s28+$0x110];
	_ =	sdelay $0x4  }
0x7e: {  	v2 =	vand.u32 $0xFFFF, v1  }
0x7f: {  	v1 =	vshrl.u32 v1, $0x10;
	[tilespmem:$0x2810] =	vst v2  }
0x80: {  	[tilespmem:$0x2910] =	vst v1  }
0x81: {  	v1 =	vld [tilespmem:s28+$0x120];
	_ =	sdelay $0x4  }
0x82: {  	v2 =	vand.u32 $0xFFFF, v1  }
0x83: {  	v1 =	vshrl.u32 v1, $0x10;
	[tilespmem:$0x2820] =	vst v2  }
0x84: {  	[tilespmem:$0x2920] =	vst v1  }
0x85: {  	v1 =	vld [tilespmem:s28+$0x130];
	_ =	sdelay $0x4  }
0x86: {  	v2 =	vand.u32 $0xFFFF, v1  }
0x87: {  	v1 =	vshrl.u32 v1, $0x10;
	[tilespmem:$0x2830] =	vst v2  }
0x88: {  	[tilespmem:$0x2930] =	vst v1  }
0x89: {  	v1 =	vld [tilespmem:s28+$0x140];
	_ =	sdelay $0x4  }
0x8a: {  	v2 =	vand.u32 $0xFFFF, v1  }
0x8b: {  	v1 =	vshrl.u32 v1, $0x10;
	[tilespmem:$0x2840] =	vst v2  }
0x8c: {  	[tilespmem:$0x2940] =	vst v1  }
0x8d: {  	v1 =	vld [tilespmem:s28+$0x150];
	_ =	sdelay $0x4  }
0x8e: {  	v2 =	vand.u32 $0xFFFF, v1  }
0x8f: {  	v1 =	vshrl.u32 v1, $0x10;
	[tilespmem:$0x2850] =	vst v2  }
0x90: {  	[tilespmem:$0x2950] =	vst v1  }
0x91: {  	v1 =	vld [tilespmem:s28+$0x160];
	_ =	sdelay $0x4  }
0x92: {  	v2 =	vand.u32 $0xFFFF, v1  }
0x93: {  	s29 =	simm.s32 $0x400;
	v1 =	vshrl.u32 v1, $0x10;
	[tilespmem:$0x2860] =	vst v2  }
.LBB2_4:
0x94: {  	p0 =	sne.s32 s29, $0x9800;
	[tilespmem:$0x2960] =	vst v1;
	s30 =	smov.u32 s29;
	s29 =	sadd.s32 $0x400, s29  }
0x95: {  	v1 =	vld [tilespmem:s28+$0x170];
	_ =	sdelay $0x4  }
0x96: {  	v2 =	vand.u32 $0xFFFF, v1;
	v1 =	vshrl.u32 v1, $0x10  }
0x97: {  	[tilespmem:$0x2870] =	vst v2  }
0x98: {  	[tilespmem:$0x2970] =	vst v1  }
0x99: {  	[tilespmem:s16], [sflag:$0x1] =	stream.indirect.gather [hbm4b:s4+s13], $0x80, s17, s13, $0xb8;
	[tilespmem:$0x1EA00] =	vst v63  }
0x9a: {  	_ =	swait.ge [sflag:s22], $0x4000  }
0x9b: {  	[sflag:s22] =	ssyncset.done $0x0  }
0x9c: {  	[sflag:s22] =	ssyncadd.s32 $0xFFFFC000  }
0x9d: {  	[spmem:s2] =	stream.indirect.scatter.add.f32 [tilespmem:s19], [sflag:$0x3], $0x80, s23, s13, $0xb8;
	[tilespmem:$0x1EA00] =	vst v63  }
0x9e: {  	_ =	swait.ge [sflag:s15], $0x4000  }
0x9f: {  	[sflag:s15] =	ssyncset.done $0x0  }
0xa0: {  	s28 =	sshra.s32 s30, $0x2;
	[sflag:s15] =	ssyncadd.s32 $0xFFFFC000  }
0xa1: {  	v1 =	vld [tilespmem:s28+$0x80];
	_ =	sdelay $0x4  }
0xa2: {  	v2 =	vand.u32 $0xFFFF, v1;
	v1 =	vshrl.u32 v1, $0x10  }
0xa3: {  	[tilespmem:$0x2880] =	vst v2  }
0xa4: {  	[tilespmem:$0x2980] =	vst v1  }
0xa5: {  	v1 =	vld [tilespmem:s28+$0x90];
	_ =	sdelay $0x4  }
0xa6: {  	v2 =	vand.u32 $0xFFFF, v1;
	v1 =	vshrl.u32 v1, $0x10  }
0xa7: {  	[tilespmem:$0x2890] =	vst v2  }
0xa8: {  	[tilespmem:$0x2990] =	vst v1  }
0xa9: {  	v1 =	vld [tilespmem:s28+$0xA0];
	_ =	sdelay $0x4  }
0xaa: {  	v2 =	vand.u32 $0xFFFF, v1;
	v1 =	vshrl.u32 v1, $0x10  }
0xab: {  	[tilespmem:$0x28A0] =	vst v2  }
0xac: {  	[tilespmem:$0x29A0] =	vst v1  }
0xad: {  	v1 =	vld [tilespmem:s28+$0xB0];
	_ =	sdelay $0x4  }
0xae: {  	v2 =	vand.u32 $0xFFFF, v1;
	v1 =	vshrl.u32 v1, $0x10  }
0xaf: {  	[tilespmem:$0x28B0] =	vst v2  }
0xb0: {  	[tilespmem:$0x29B0] =	vst v1  }
0xb1: {  	v1 =	vld [tilespmem:s28+$0xC0];
	_ =	sdelay $0x4  }
0xb2: {  	v2 =	vand.u32 $0xFFFF, v1;
	v1 =	vshrl.u32 v1, $0x10  }
0xb3: {  	[tilespmem:$0x28C0] =	vst v2  }
0xb4: {  	[tilespmem:$0x29C0] =	vst v1  }
0xb5: {  	v1 =	vld [tilespmem:s28+$0xD0];
	_ =	sdelay $0x4  }
0xb6: {  	v2 =	vand.u32 $0xFFFF, v1;
	v1 =	vshrl.u32 v1, $0x10  }
0xb7: {  	[tilespmem:$0x28D0] =	vst v2  }
0xb8: {  	[tilespmem:$0x29D0] =	vst v1  }
0xb9: {  	v1 =	vld [tilespmem:s28+$0xE0];
	_ =	sdelay $0x4  }
0xba: {  	v2 =	vand.u32 $0xFFFF, v1;
	v1 =	vshrl.u32 v1, $0x10  }
0xbb: {  	[tilespmem:$0x28E0] =	vst v2  }
0xbc: {  	[tilespmem:$0x29E0] =	vst v1  }
0xbd: {  	v1 =	vld [tilespmem:s28+$0xF0];
	_ =	sdelay $0x4  }
0xbe: {  	v2 =	vand.u32 $0xFFFF, v1;
	v1 =	vshrl.u32 v1, $0x10  }
0xbf: {  	[tilespmem:$0x28F0] =	vst v2  }
0xc0: {  	[tilespmem:$0x29F0] =	vst v1  }
0xc1: {  	[tilespmem:s19], [sflag:$0x2] =	stream.indirect.gather [hbm4b:s4+s13], $0x80, s18, s13, $0xb8;
	[tilespmem:$0x1EA00] =	vst v63  }
0xc2: {  	_ =	swait.ge [sflag:s20], $0x4000  }
0xc3: {  	[sflag:s20] =	ssyncset.done $0x0  }
0xc4: {  	[sflag:s20] =	ssyncadd.s32 $0xFFFFC000  }
0xc5: {  	[spmem:s2] =	stream.indirect.scatter.add.f32 [tilespmem:s16], [sflag:$0x3], $0x80, s21, s13, $0xb8;
	[tilespmem:$0x1EA00] =	vst v63  }
0xc6: {  	_ =	swait.ge [sflag:s15], $0x4000  }
0xc7: {  	[sflag:s15] =	ssyncset.done $0x0  }
0xc8: {  	[sflag:s15] =	ssyncadd.s32 $0xFFFFC000  }
0xc9: {  	v1 =	vld [tilespmem:s28+$0x100];
	_ =	sdelay $0x4  }
0xca: {  	v2 =	vand.u32 $0xFFFF, v1;
	v1 =	vshrl.u32 v1, $0x10  }
0xcb: {  	[tilespmem:$0x2800] =	vst v2  }
0xcc: {  	[tilespmem:$0x2900] =	vst v1  }
0xcd: {  	v1 =	vld [tilespmem:s28+$0x110];
	_ =	sdelay $0x4  }
0xce: {  	v2 =	vand.u32 $0xFFFF, v1;
	v1 =	vshrl.u32 v1, $0x10  }
0xcf: {  	[tilespmem:$0x2810] =	vst v2  }
0xd0: {  	[tilespmem:$0x2910] =	vst v1  }
0xd1: {  	v1 =	vld [tilespmem:s28+$0x120];
	_ =	sdelay $0x4  }
0xd2: {  	v2 =	vand.u32 $0xFFFF, v1;
	v1 =	vshrl.u32 v1, $0x10  }
0xd3: {  	[tilespmem:$0x2820] =	vst v2  }
0xd4: {  	[tilespmem:$0x2920] =	vst v1  }
0xd5: {  	v1 =	vld [tilespmem:s28+$0x130];
	_ =	sdelay $0x4  }
0xd6: {  	v2 =	vand.u32 $0xFFFF, v1;
	v1 =	vshrl.u32 v1, $0x10  }
0xd7: {  	[tilespmem:$0x2830] =	vst v2  }
0xd8: {  	[tilespmem:$0x2930] =	vst v1  }
0xd9: {  	v1 =	vld [tilespmem:s28+$0x140];
	_ =	sdelay $0x4  }
0xda: {  	v2 =	vand.u32 $0xFFFF, v1;
	v1 =	vshrl.u32 v1, $0x10  }
0xdb: {  	[tilespmem:$0x2840] =	vst v2  }
0xdc: {  	[tilespmem:$0x2940] =	vst v1  }
0xdd: {  	v1 =	vld [tilespmem:s28+$0x150];
	_ =	sdelay $0x4  }
0xde: {  	v2 =	vand.u32 $0xFFFF, v1;
	v1 =	vshrl.u32 v1, $0x10  }
0xdf: {  	[tilespmem:$0x2850] =	vst v2  }
0xe0: {  	[tilespmem:$0x2950] =	vst v1  }
0xe1: {  	v1 =	vld [tilespmem:s28+$0x160];
	_ =	sdelay $0x1  }
.Ltmp1:
0xe2: {  	(pc) =	sbr.rel @p0 .LBB2_4-.Ltmp1, $3  }
0xe3: {  	_ =	sdelay $0x1  }
0xe4: {  	v2 =	vand.u32 $0xFFFF, v1;
	v1 =	vshrl.u32 v1, $0x10  }
0xe5: {  	[tilespmem:$0x2860] =	vst v2  }
0xe6: {  	[tilespmem:$0x2960] =	vst v1  }
0xe7: {  	v1 =	vld [tilespmem:s28+$0x170];
	_ =	sdelay $0x4  }
0xe8: {  	v2 =	vand.u32 $0xFFFF, v1  }
0xe9: {  	v1 =	vshrl.u32 v1, $0x10;
	[tilespmem:$0x2870] =	vst v2  }
0xea: {  	[tilespmem:$0x2970] =	vst v1  }
0xeb: {  	[tilespmem:s16], [sflag:$0x1] =	stream.indirect.gather [hbm4b:s4+s13], $0x80, s17, s13, $0xb8;
	[tilespmem:$0x1EA00] =	vst v63  }
0xec: {  	_ =	swait.ge [sflag:s22], $0x4000  }
0xed: {  	[sflag:s22] =	ssyncset.done $0x0  }
0xee: {  	[sflag:s22] =	ssyncadd.s32 $0xFFFFC000  }
0xef: {  	[spmem:s2] =	stream.indirect.scatter.add.f32 [tilespmem:s19], [sflag:$0x3], $0x80, s23, s13, $0xb8;
	[tilespmem:$0x1EA00] =	vst v63  }
0xf0: {  	_ =	swait.ge [sflag:s15], $0x4000  }
0xf1: {  	[sflag:s15] =	ssyncset.done $0x0  }
0xf2: {  	[sflag:s15] =	ssyncadd.s32 $0xFFFFC000  }
0xf3: {  	v1 =	vld [tilespmem:$0x2780];
	_ =	sdelay $0x1  }
0xf4: {  	v2 =	vld [tilespmem:$0x2790];
	_ =	sdelay $0x1  }
0xf5: {  	v3 =	vld [tilespmem:$0x27A0]  }
0xf6: {  	v4 =	vand.u32 $0xFFFF, v1  }
0xf7: {  	v62 =	vld [tilespmem:$0x27B0];
	v1 =	vshrl.u32 v1, $0x10;
	[tilespmem:$0x2880] =	vst v4  }
0xf8: {  	[tilespmem:$0x2980] =	vst v1;
	v1 =	vand.u32 $0xFFFF, v2  }
0xf9: {  	[tilespmem:$0x2890] =	vst v1;
	v1 =	vshrl.u32 v2, $0x10;
	v2 =	vld [tilespmem:$0x27C0]  }
0xfa: {  	[tilespmem:$0x2990] =	vst v1;
	v1 =	vand.u32 $0xFFFF, v3  }
0xfb: {  	[tilespmem:$0x28A0] =	vst v1;
	v1 =	vshrl.u32 v3, $0x10;
	v3 =	vld [tilespmem:$0x27D0]  }
0xfc: {  	[tilespmem:$0x29A0] =	vst v1;
	v1 =	vand.u32 $0xFFFF, v62  }
0xfd: {  	v63 =	vld [tilespmem:$0x27E0];
	[tilespmem:$0x28B0] =	vst v1;
	v1 =	vshrl.u32 v62, $0x10  }
0xfe: {  	[tilespmem:$0x29B0] =	vst v1;
	v1 =	vand.u32 $0xFFFF, v2  }
0xff: {  	[tilespmem:$0x28C0] =	vst v1;
	v1 =	vshrl.u32 v2, $0x10;
	v2 =	vld [tilespmem:$0x27F0]  }
0x100: {  	[tilespmem:$0x29C0] =	vst v1;
	v1 =	vand.u32 $0xFFFF, v3  }
0x101: {  	[tilespmem:$0x28D0] =	vst v1;
	v1 =	vshrl.u32 v3, $0x10  }
0x102: {  	[tilespmem:$0x29D0] =	vst v1;
	v1 =	vand.u32 $0xFFFF, v63  }
0x103: {  	[tilespmem:$0x28E0] =	vst v1;
	v1 =	vshrl.u32 v63, $0x10  }
0x104: {  	[tilespmem:$0x29E0] =	vst v1;
	v1 =	vand.u32 $0xFFFF, v2  }
0x105: {  	[tilespmem:$0x28F0] =	vst v1;
	v1 =	vshrl.u32 v2, $0x10  }
0x106: {  	[tilespmem:$0x29F0] =	vst v1  }
0x107: {  	[tilespmem:s19], [sflag:$0x2] =	stream.indirect.gather [hbm4b:s4+s13], $0x80, s18, s13, $0xb8;
	[tilespmem:$0x1EA00] =	vst v63  }
0x108: {  	_ =	swait.ge [sflag:s20], $0x4000  }
0x109: {  	[sflag:s20] =	ssyncset.done $0x0  }
0x10a: {  	[sflag:s20] =	ssyncadd.s32 $0xFFFFC000  }
0x10b: {  	[spmem:s2] =	stream.indirect.scatter.add.f32 [tilespmem:s16], [sflag:$0x3], $0x80, s21, s13, $0xb8;
	[tilespmem:$0x1EA00] =	vst v63  }
0x10c: {  	_ =	swait.ge [sflag:s15], $0x4000  }
0x10d: {  	[sflag:s15] =	ssyncset.done $0x0  }
0x10e: {  	[sflag:s15] =	ssyncadd.s32 $0xFFFFC000  }
0x10f: {  	_ =	swait.ge [sflag:s22], $0x4000  }
0x110: {  	[sflag:s22] =	ssyncset.done $0x0  }
0x111: {  	[sflag:s22] =	ssyncadd.s32 $0xFFFFC000  }
0x112: {  	[spmem:s2] =	stream.indirect.scatter.add.f32 [tilespmem:s19], [sflag:$0x3], $0x80, s23, s13, $0xb8;
	[tilespmem:$0x1EA00] =	vst v63  }
0x113: {  	_ =	swait.ge [sflag:s15], $0x4000  }
0x114: {  	s26 =	sadd.s32 $0x1, s26;
	[sflag:s15] =	ssyncset.done $0x0  }
0x115: {  	p0 =	sne.s32 s26, s8;
	[sflag:s15] =	ssyncadd.s32 $0xFFFFC000  }
.Ltmp2:
0x116: {  	[bflag:$0x0] =	sbarrier.arrive $0xFFFF;
	(pc) =	sbr.rel @p0 .LBB2_1-.Ltmp2, $4  }
0x117: {  	[hbm:s7], [sflag:s24] =	dma.local [spmem:s25], $0x2800  }
0x118: {  	_ =	swait.ge [sflag:s15], $0x2800  }
0x119: {  	[sflag:s15] =	ssyncset.done $0x0  }
0x11a: {  	[sflag:s15] =	ssyncadd.s32 $0xFFFFD800  }
0x11b: {  	_ =	sfence.sel $0x180000  }
0x11c: {  	[bflag:$0x0] =	sbarrier.arrive $0xFFFF  }
0x11d: {  	p0 =	sne.s32 s0, $0x0;
	_ =	strace $0x9000004A  }
0x11e: {  	s0 =	sadd.s32 @!p0 $0x100000, s1;
	[bflag:$0x2] =	sbarrier.arrive $0xFFFF  }
0x11f: {  	[sflag:s0] =	ssyncadd.tile.s32 @!p0 $0x1;
	_ =	shalt  }
.Lfunc_end2:
_tile_overlayer_lowered:
.L_overlay_start_2:
0x120: {  	(tag) =	ssettag $0x2  }
0x121: {  	s0 =	rddreg [dreg:$0x0];
	s2 =	stileid.u32  }
0x122: {  	s1 =	rddreg [dreg:$0x1];
	p0 =	sne.s32 s2, $0x0  }
0x123: {  	s3 =	rddreg [dreg:$0x2];
	[bflag:$0x3] =	sbarrier.arrive $0xFFFF;
	s2 =	simm.s32 @!p0 $0x1C03  }
0x124: {  	[timem:s3], [sflag:s2] =	dma.local @!p0 [hbm:s0], s1  }
0x125: {  	s0 =	simm.s32 @!p0 $0x3  }
0x126: {  	_ =	swait.ge @!p0 [sflag:s0], s1  }
0x127: {  	s1 =	ssub.s32 @!p0 $0x0, s1;
	[sflag:s0] =	ssyncset.done @!p0 $0x0  }
0x128: {  	[sflag:s0] =	ssyncadd.s32 @!p0 s1  }
0x129: {  	[bflag:$0x3] =	sbarrier.arrive $0xFFFF  }
0x12a: {  	_ =	shalt  }

// kernel: kernel.15.cloned.1.call-start
scs
__scs_entry_jumppad:
0x0: {  	(pc) =	sbr.rel $0x88, $3  }
0x1: {  	(tag) =	ssettag $0x0;
	lr =	simm.s32 $0x1  }
0x2: {  	[smem:$0x3F97] =	sst lr;
	_ =	strace $0xD0000000  }
0x3: {  	_ = 	snop  }
0x4: {  	_ = 	snop  }
0x5: {  	_ = 	snop  }
0x6: {  	_ = 	snop  }
0x7: {  	_ = 	snop  }
__scs_overlays_trampoline_lowered:
0x8: {  	[smem:$0x3FA6] =	sst s0  }
0x9: {  	[smem:$0x3FA7] =	sst s1  }
0xa: {  	[smem:$0x3FA8] =	sst s2  }
0xb: {  	[smem:$0x3FA9] =	sst s3  }
0xc: {  	[smem:$0x3FAA] =	sst s4  }
0xd: {  	[smem:$0x3FAB] =	sst s5  }
0xe: {  	[smem:$0x3FAC] =	sst s6  }
0xf: {  	[smem:$0x3FAD] =	sst s7  }
0x10: {  	[smem:$0x3FAE] =	sst s8  }
0x11: {  	[smem:$0x3FAF] =	sst s9;
	s0 =	simm.s32 @!p0 $0x0  }
0x12: {  	s1 =	sld [smem:$0x3F95];
	s0 =	simm.s32 @p0 $0x1  }
0x13: {  	[smem:$0x3FB0] =	sst s0;
	s0 =	simm.s32 @!p1 $0x0  }
0x14: {  	s2 =	sld [smem:$0x3F94];
	s0 =	simm.s32 @p1 $0x1  }
0x15: {  	[smem:$0x3FB1] =	sst s0;
	s0 =	simm.s32 @!p2 $0x0  }
0x16: {  	s3 =	sld [smem:$0x3FDB];
	s0 =	simm.s32 @p2 $0x1  }
0x17: {  	s4 =	simm.s32 $0x1BF5;
	[smem:$0x3FB3] =	sst s0  }
0x18: {  	s0 =	sld [smem:$0x3F96];
	_ =	swait.ge [sflag:s4], $0x0  }
0x19: {  	s7 =	sld [smem:$0x3F97]  }
0x1a: {  	s8 =	sadd.s32 $0xFFFFE003, lr  }
0x1b: {  	s9 =	sadd.s32 $0xFFFFFEF7, lr;
	s5 =	simm.s32 $0xFFFFFFFF;
	p2 =	slt.u32 s8, $0xFFFFF086  }
0x1c: {  	p1 =	slt.u32 s9, $0xF7A;
	s5 =	simm.s32 @!p2 $0x0  }
0x1d: {  	s5 =	simm.s32 @p1 $0x1;
	p0 =	seq.s32 s7, s2  }
0x1e: {  	s7 =	smul.u32 @!p0 $0xF7A, s2;
	p2 =	seq.s32 @!p0 s5, $0x0  }
0x1f: {  	s9 =	smul.u32 $0xF7A, s1;
	s8 =	simm.s32 @!p0 $0x1BF5;
	p2 =	por !p2, p0  }
0x20: {  	[sflag:s8] =	ssyncset.s32 @!p0 $0xFFFFF086;
	s6 =	sadd.s32 @!p0 s3, s7;
	s7 =	simm.s32 @!p0 $0x108  }
0x21: {  	s3 =	sadd.s32 s3, s9;
	s6 =	sadd.s32 @!p0 $0x88, s6;
	s7 =	simm.s32 @p2 $0x1082  }
0x22: {  	[simem:s7], [sflag:s8] =	dma.local @!p0 [hbm:s6], $0xF7A  }
0x23: {  	s9 =	sor.u32 $0xD0000000, s2;
	s6 =	simm.s32 $0x108;
	_ =	swait.ge @!p0 [sflag:s8], $0x0  }
0x24: {  	s3 =	sadd.s32 $0x88, s3;
	s6 =	simm.s32 @!p1 $0x1082;
	[sflag:s4] =	ssyncset.s32 $0xFFFFF086  }
0x25: {  	[simem:s6], [sflag:s4] =	dma.local [hbm:s3], $0xF7A  }
0x26: {  	[smem:$0x3F97] =	sst s1;
	(tag) =	ssettag s2;
	_ =	strace s9  }
0x27: {  	s1 =	sld [smem:$0x3FA7]  }
0x28: {  	s2 =	sld [smem:$0x3FA8]  }
0x29: {  	s4 =	sld [smem:$0x3FAA]  }
0x2a: {  	p0 =	seq.s32 s5, $0x0;
	s5 =	sld [smem:$0x3FAB]  }
0x2b: {  	s6 =	sld [smem:$0x3FAC]  }
0x2c: {  	s7 =	sld [smem:$0x3FAD]  }
0x2d: {  	s3 =	simm.s32 $0x108;
	s8 =	sld [smem:$0x3FAE]  }
0x2e: {  	s3 =	simm.s32 @!p0 $0x1082;
	s9 =	sld [smem:$0x3FAF]  }
0x2f: {  	lr =	sadd.s32 s0, s3;
	s0 =	sld [smem:$0x3FA6]  }
0x30: {  	s3 =	sld [smem:$0x3FA9]  }
0x31: {  	[smem:$0x3FB2] =	sst s10  }
0x32: {  	s10 =	sld [smem:$0x3FB0];
	_ =	sdelay $0x3  }
0x33: {  	p0 =	seq.s32 s10, $0x1;
	s10 =	sld [smem:$0x3FB2];
	_ =	sdelay $0x3  }
0x34: {  	[smem:$0x3FB2] =	sst s10  }
0x35: {  	s10 =	sld [smem:$0x3FB1];
	_ =	sdelay $0x3  }
0x36: {  	p1 =	seq.s32 s10, $0x1;
	s10 =	sld [smem:$0x3FB2];
	_ =	sdelay $0x3  }
0x37: {  	[smem:$0x3FB2] =	sst s10  }
0x38: {  	s10 =	sld [smem:$0x3FB3]  }
0x39: {  	_ = 	snop;
	(pc) =	sbr.ind lr, $3  }
0x3a: {  	_ = 	snop  }
0x3b: {  	_ = 	snop  }
0x3c: {  	p2 =	seq.s32 s10, $0x1;
	s10 =	sld [smem:$0x3FB2]  }
0x3d: {  	_ =	shalt  }
0x3e: {  	_ =	shalt  }
0x3f: {  	_ =	shalt  }
0x40: {  	_ =	shalt  }
0x41: {  	_ =	shalt  }
0x42: {  	_ =	shalt  }
0x43: {  	_ =	shalt  }
0x44: {  	_ =	shalt  }
0x45: {  	_ =	shalt  }
0x46: {  	_ =	shalt  }
0x47: {  	_ =	shalt  }
0x48: {  	_ =	shalt  }
0x49: {  	_ =	shalt  }
0x4a: {  	_ =	shalt  }
0x4b: {  	_ =	shalt  }
0x4c: {  	_ =	shalt  }
0x4d: {  	_ =	shalt  }
0x4e: {  	_ =	shalt  }
0x4f: {  	_ =	shalt  }
0x50: {  	_ =	shalt  }
0x51: {  	_ =	shalt  }
0x52: {  	_ =	shalt  }
0x53: {  	_ =	shalt  }
0x54: {  	_ =	shalt  }
0x55: {  	_ =	shalt  }
0x56: {  	_ =	shalt  }
0x57: {  	_ =	shalt  }
0x58: {  	_ =	shalt  }
0x59: {  	_ =	shalt  }
0x5a: {  	_ =	shalt  }
0x5b: {  	_ =	shalt  }
0x5c: {  	_ =	shalt  }
0x5d: {  	_ =	shalt  }
0x5e: {  	_ =	shalt  }
0x5f: {  	_ =	shalt  }
0x60: {  	_ =	shalt  }
0x61: {  	_ =	shalt  }
0x62: {  	_ =	shalt  }
0x63: {  	_ =	shalt  }
0x64: {  	_ =	shalt  }
0x65: {  	_ =	shalt  }
0x66: {  	_ =	shalt  }
0x67: {  	_ =	shalt  }
0x68: {  	_ =	shalt  }
0x69: {  	_ =	shalt  }
0x6a: {  	_ =	shalt  }
0x6b: {  	_ =	shalt  }
0x6c: {  	_ =	shalt  }
0x6d: {  	_ =	shalt  }
0x6e: {  	_ =	shalt  }
0x6f: {  	_ =	shalt  }
0x70: {  	_ =	shalt  }
0x71: {  	_ =	shalt  }
0x72: {  	_ =	shalt  }
0x73: {  	_ =	shalt  }
0x74: {  	_ =	shalt  }
0x75: {  	_ =	shalt  }
0x76: {  	_ =	shalt  }
0x77: {  	_ =	shalt  }
0x78: {  	_ =	shalt  }
0x79: {  	_ =	shalt  }
0x7a: {  	_ =	shalt  }
0x7b: {  	_ =	shalt  }
0x7c: {  	_ =	shalt  }
0x7d: {  	_ =	shalt  }
0x7e: {  	_ =	shalt  }
0x7f: {  	_ =	shalt  }
0x80: {  	_ =	shalt  }
0x81: {  	_ =	shalt  }
0x82: {  	_ =	shalt  }
0x83: {  	_ =	shalt  }
0x84: {  	_ =	shalt  }
0x85: {  	_ =	shalt  }
0x86: {  	_ =	shalt  }
0x87: {  	_ =	shalt  }
.Lfunc_end0:
.L_simem_size_0:
called_computation.2_lowered:
.L_overlay_start_0:
0x88: {  	s2 =	sld [smem:$0x3FD9]  }
0x89: {  	s3 =	sld [smem:$0x3FFE];
	_ =	sdelay $0x1  }
0x8a: {  	s1 =	srdreg.scid  }
0x8b: {  	s0 =	sand.u32 $0x1, s1  }
0x8c: {  	s16 =	sshll.u32 s0, $0xA;
	s2 =	sadd.s32 s3, s2  }
0x8d: {  	s2 =	sadd.s32 s2, s16  }
0x8e: {  	[smem:$0x3FBE] =	sst s2  }
0x8f: {  	_ = 	snop  }
0x90: {  	(tm) =	ssettm $0x1  }
0x91: {  	s17 =	sld [smem:$0x3FFB];
	_ =	sdelay $0x3  }
0x92: {  	_ =	strace s17  }
0x93: {  	s2 =	sld [smem:$0x3FFC];
	_ =	sdelay $0x3  }
0x94: {  	_ =	strace s2  }
0x95: {  	s2 =	sld [smem:$0x3FFD];
	_ =	sdelay $0x3  }
0x96: {  	_ =	strace s2  }
0x97: {  	_ =	strace $0x8FFFFFFF  }
0x98: {  	s18 =	sld [smem:$0x3FDB];
	_ =	sdelay $0x1  }
0x99: {  	s19 =	simm.s32 $_scs_section_size  }
0x9a: {  	s4 =	simm.s32 $_size__tile_overlayer_lowered;
	s5 =	simm.s32 $_tile_overlayer_lowered  }
0x9b: {  	s22 =	simm.s32 $0x1BFF;
	s21 =	sshll.u32 s5, $0x1;
	s2 =	sadd.s32 s19, s18  }
0x9c: {  	s6 =	simm.s32 $0x0;
	s20 =	sshll.u32 s4, $0x1;
	s4 =	sadd.s32 s21, s2  }
0x9d: {  	[timem:s6], [sflag:s22] =	dma.local [hbm:s4], s20  }
0x9e: {  	_ =	swait.ge [sflag:s22], s20  }
0x9f: {  	s3 =	ssub.s32 $0x0, s20;
	[sflag:s22] =	ssyncset.done $0x0  }
0xa0: {  	[sflag:s22] =	ssyncadd.s32 s3;
	_ =	sdelay $0x1  }
0xa1: {  	s23 =	simm.s32 $0x1B8B  }
0xa2: {  	_ =	swait.ge [sflag:s23], $0x1  }
0xa3: {  	[sflag:s23] =	ssyncset.done $0x0  }
0xa4: {  	s25 =	simm.s32 $0x1B8E;
	s24 =	sld [smem:$0x3FFE];
	[sflag:s23] =	ssyncadd.s32 $0xFFFFFFFF  }
0xa5: {  	s26 =	simm.s32 $execute0_lowered;
	[smem:$0x3FD2] =	sst s25  }
0xa6: {  	s4 =	sshll.u32 s26, $0x1;
	_ =	strace $0x8000004C;
	[dreg:$0x1] =	wrdreg $0xFFFFFFFF  }
0xa7: {  	s28 =	simm.s32 $_size_execute0_lowered;
	s2 =	sadd.s32 s2, s4;
	[dreg:$0x0] =	wrdreg $0x0  }
0xa8: {  	s4 =	sshll.u32 s28, $0x1;
	[dreg:$0x2] =	wrdreg s2  }
0xa9: {  	[dreg:$0x3] =	wrdreg s4  }
0xaa: {  	[dreg:$0x4] =	wrdreg $0xC0  }
0xab: {  	_ =	task [dreg:s6], $0x5FFFF  }
0xac: {  	[dreg:$0x1] =	wrdreg $0xFFFFFFFF  }
0xad: {  	[dreg:$0x0] =	wrdreg $0x60  }
0xae: {  	[dreg:$0x2] =	wrdreg s24  }
0xaf: {  	[dreg:$0x3] =	wrdreg $0xAA000  }
0xb0: {  	[dreg:$0x4] =	wrdreg $0x9  }
0xb1: {  	_ =	task.clear_ibuf [dreg:s6], $0x5FFFF;
	_ =	strace $0x9000004C  }
0xb2: {  	s29 =	simm.s32 $0x9;
	_ =	strace $0x8000004E  }
0xb3: {  	_ =	swait.ge [sflag:s29], $0x1  }
0xb4: {  	[sflag:s29] =	ssyncadd.s32 $0xFFFFFFFF  }
0xb5: {  	_ =	strace $0x9000004E  }
0xb6: {  	_ =	sfence  }
0xb7: {  	s30 =	sld [smem:$0x0];
	_ =	sdelay $0x2  }
0xb8: {  	s31 =	sshll.u32 s1, $0xD;
	s1 =	sshrl.u32 s1, $0x2  }
0xb9: {  	s3 =	sand.u32 $0x4000, s31;
	s1 =	sadd.s32 s1, s30  }
0xba: {  	s0 =	sor.u32 s3, s0;
	s1 =	sshll.u32 s1, $0x11  }
0xbb: {  	s0 =	sor.u32 s1, s0  }
0xbc: {  	s0 =	sadd.s32 $0x8F2B, s0  }
0xbd: {  	[sflag:s0] =	ssyncadd.remote.s32 $0x1  }
0xbe: {  	_ =	sfence.sel $0xFFFF  }
0xbf: {  	[dreg:$0x0] =	wrdreg $0xFFFFFFFF;
	(pc) =	sbr.abs _section_cstart, $3  }
0xc0: {  	[dreg:$0x1] =	wrdreg $0xFFFFFFFF  }
0xc1: {  	_ =	task.clear_ibuf [dreg:s6], $0x2FFFF;
	_ =	strace $0x9FFFFFFF  }
0xc2: {  	(tm) =	ssettm $0x7FFFFFFF  }
0xc3: {  	_ =	shalt  }
tec
execute0_lowered:
.L_overlay_start_1:
0x0: {  	(tag) =	ssettag $0x1  }
0x1: {  	s6 =	rddreg [dreg:$0x0]  }
0x2: {  	s0 =	srdreg.scid;
	s2 =	rddreg [dreg:$0x1];
	s13 =	simm.s32 $0x80  }
0x3: {  	s14 =	simm.s32 $0x400;
	s15 =	simm.s32 $0x3;
	s16 =	simm.s32 $0x2A00  }
0x4: {  	s17 =	simm.s32 $0x2800;
	s18 =	simm.s32 $0x2880;
	s19 =	simm.s32 $0x6A00  }
0x5: {  	s20 =	simm.s32 $0x1;
	s21 =	simm.s32 $0x2900;
	s5 =	sand.u32 $0x1, s0  }
0x6: {  	s22 =	simm.s32 $0x2;
	s0 =	stileid.u32;
	s8 =	smul.u32 $0x140000, s5  }
0x7: {  	s23 =	simm.s32 $0x2980;
	s26 =	simm.s32 $0x0;
	s10 =	smul.u32 $0x14000, s0  }
0x8: {  	s1 =	sshll.u32 s5, $0x4;
	s4 =	sshll.u32 s0, $0x7;
	s29 =	smul.u32 $0x50000, s0  }
0x9: {  	s5 =	ssub.s32 $0x2, s5;
	s24 =	sshll.u32 s0, $0x6;
	s1 =	sor.u32 s0, s1  }
0xa: {  	s9 =	sand.u32 $0x380, s4;
	s4 =	sadd.s32 $0x2A00, s6;
	s3 =	sshrl.u32 s1, $0x3  }
0xb: {  	s30 =	sshrl.u32 s5, $0x1;
	s24 =	sor.u32 $0x1C03, s24;
	s7 =	smul.u32 $0x14000, s3  }
0xc: {  	s1 =	rddreg [dreg:$0x2];
	s8 =	sadd.s32 s10, s8;
	s31 =	ssub.s32 s5, s30  }
0xd: {  	s3 =	simm.s32 $0x0;
	s8 =	sshrl.u32 s8, $0x3;
	s7 =	sor.u32 s9, s7  }
0xe: {  	[smem:$0x7FF] =	sst s3;
	s8 =	sadd.s32 s8, s6;
	s7 =	sshrl.u32 s7, $0x3  }
0xf: {  	_ =	strace $0x8000004D;
	s9 =	sshrl.u32 s29, $0x2;
	s7 =	sadd.s32 s7, s6  }
0x10: {  	s6 =	sadd.s32 s9, s2;
	s5 =	sadd.s32 $0x52A00, s7;
	s7 =	sadd.s32 $0x5CA00, s8  }
0x11: {  	s8 =	smax.u32 s31, $0x1;
	s9 =	sadd.s32 $0x4000, s6;
	s10 =	sadd.s32 $0x8000, s6  }
0x12: {  	v0 =	vimm.f32 $0.0e+00;
	s11 =	sadd.s32 $0xC000, s6;
	s12 =	sadd.s32 $0x10000, s6;
	s25 =	sshrl.u32 s6, $0x3  }
.LBB2_1:
0x13: {  	[tilespmem:s3], [sflag:$0x3] =	stream.strided.gather [hbm4b:s5+s13], $0x2800, s14, s13, $0x38;
	[tilespmem:$0x1EA00] =	vst v63  }
0x14: {  	_ =	swait.ge [sflag:s15], $0x2800  }
0x15: {  	[sflag:s15] =	ssyncset.done $0x0  }
0x16: {  	s28 =	simm.s32 $0x0;
	s29 =	simm.s32 $0x200;
	[sflag:s15] =	ssyncadd.s32 $0xFFFFD800  }
.LBB2_2:
0x17: {  	p0 =	sne.s32 s29, $0xFE00;
	[tilespmem:s28+$0x2A70] =	vst v0  }
0x18: {  	[tilespmem:s28+$0x2A00] =	vst v0  }
0x19: {  	[tilespmem:s28+$0x2A10] =	vst v0  }
.Ltmp0:
0x1a: {  	[tilespmem:s28+$0x2A20] =	vst v0;
	(pc) =	sbr.rel @p0 .LBB2_2-.Ltmp0, $4  }
0x1b: {  	[tilespmem:s28+$0x2A30] =	vst v0  }
0x1c: {  	[tilespmem:s28+$0x2A40] =	vst v0  }
0x1d: {  	[tilespmem:s28+$0x2A50] =	vst v0  }
0x1e: {  	[tilespmem:s28+$0x2A60] =	vst v0;
	s28 =	sshra.s32 s29, $0x2;
	s29 =	sadd.s32 $0x200, s29  }
0x1f: {  	[tilespmem:s28+$0x2A70] =	vst v0  }
0x20: {  	[tilespmem:s28+$0x2A00] =	vst v0  }
0x21: {  	[tilespmem:s28+$0x2A10] =	vst v0  }
0x22: {  	[tilespmem:s28+$0x2A20] =	vst v0  }
0x23: {  	[tilespmem:s28+$0x2A30] =	vst v0  }
0x24: {  	[tilespmem:s28+$0x2A40] =	vst v0  }
0x25: {  	[tilespmem:s28+$0x2A50] =	vst v0  }
0x26: {  	[tilespmem:s28+$0x2A60] =	vst v0  }
0x27: {  	[spmem:s6] =	stream.linear.scatter [tilespmem:s16], [sflag:$0x3], $0x4000, $0x38;
	[tilespmem:$0x1EA00] =	vst v63  }
0x28: {  	_ =	swait.ge [sflag:s15], $0x4000  }
0x29: {  	[sflag:s15] =	ssyncset.done $0x0  }
0x2a: {  	[sflag:s15] =	ssyncadd.s32 $0xFFFFC000  }
0x2b: {  	[spmem:s9] =	stream.linear.scatter [tilespmem:s16], [sflag:$0x3], $0x4000, $0x38;
	[tilespmem:$0x1EA00] =	vst v63  }
0x2c: {  	_ =	swait.ge [sflag:s15], $0x4000  }
0x2d: {  	[sflag:s15] =	ssyncset.done $0x0  }
0x2e: {  	[sflag:s15] =	ssyncadd.s32 $0xFFFFC000  }
0x2f: {  	[spmem:s10] =	stream.linear.scatter [tilespmem:s16], [sflag:$0x3], $0x4000, $0x38;
	[tilespmem:$0x1EA00] =	vst v63  }
0x30: {  	_ =	swait.ge [sflag:s15], $0x4000  }
0x31: {  	[sflag:s15] =	ssyncset.done $0x0  }
0x32: {  	[sflag:s15] =	ssyncadd.s32 $0xFFFFC000  }
0x33: {  	[spmem:s11] =	stream.linear.scatter [tilespmem:s16], [sflag:$0x3], $0x4000, $0x38;
	[tilespmem:$0x1EA00] =	vst v63  }
0x34: {  	_ =	swait.ge [sflag:s15], $0x4000  }
0x35: {  	[sflag:s15] =	ssyncset.done $0x0  }
0x36: {  	[sflag:s15] =	ssyncadd.s32 $0xFFFFC000  }
0x37: {  	[spmem:s12] =	stream.linear.scatter [tilespmem:s16], [sflag:$0x3], $0x4000, $0x38;
	[tilespmem:$0x1EA00] =	vst v63  }
0x38: {  	_ =	swait.ge [sflag:s15], $0x4000  }
0x39: {  	[sflag:s15] =	ssyncset.done $0x0  }
0x3a: {  	[sflag:s15] =	ssyncadd.s32 $0xFFFFC000  }
0x3b: {  	[bflag:$0x0] =	sbarrier.arrive $0xFFFF  }
0x3c: {  	v1 =	vld [tilespmem:$0x0];
	_ =	sdelay $0x1  }
0x3d: {  	v2 =	vld [tilespmem:$0x10];
	_ =	sdelay $0x1  }
0x3e: {  	v3 =	vld [tilespmem:$0x20]  }
0x3f: {  	v4 =	vand.u32 $0xFFFF, v1  }
0x40: {  	v62 =	vld [tilespmem:$0x30];
	v1 =	vshrl.u32 v1, $0x10;
	[tilespmem:$0x2800] =	vst v4  }
0x41: {  	[tilespmem:$0x2900] =	vst v1;
	v1 =	vand.u32 $0xFFFF, v2  }
0x42: {  	[tilespmem:$0x2810] =	vst v1;
	v1 =	vshrl.u32 v2, $0x10;
	v2 =	vld [tilespmem:$0x40]  }
0x43: {  	[tilespmem:$0x2910] =	vst v1;
	v1 =	vand.u32 $0xFFFF, v3  }
0x44: {  	[tilespmem:$0x2820] =	vst v1;
	v1 =	vshrl.u32 v3, $0x10;
	v3 =	vld [tilespmem:$0x50]  }
0x45: {  	[tilespmem:$0x2920] =	vst v1;
	v1 =	vand.u32 $0xFFFF, v62  }
0x46: {  	v63 =	vld [tilespmem:$0x60];
	[tilespmem:$0x2830] =	vst v1;
	v1 =	vshrl.u32 v62, $0x10  }
0x47: {  	[tilespmem:$0x2930] =	vst v1;
	v1 =	vand.u32 $0xFFFF, v2  }
0x48: {  	[tilespmem:$0x2840] =	vst v1;
	v1 =	vshrl.u32 v2, $0x10;
	v2 =	vld [tilespmem:$0x70]  }
0x49: {  	[tilespmem:$0x2940] =	vst v1;
	v1 =	vand.u32 $0xFFFF, v3  }
0x4a: {  	[tilespmem:$0x2850] =	vst v1;
	v1 =	vshrl.u32 v3, $0x10  }
0x4b: {  	[tilespmem:$0x2950] =	vst v1;
	v1 =	vand.u32 $0xFFFF, v63  }
0x4c: {  	[tilespmem:$0x2860] =	vst v1;
	v1 =	vshrl.u32 v63, $0x10  }
0x4d: {  	[tilespmem:$0x2960] =	vst v1;
	v1 =	vand.u32 $0xFFFF, v2  }
0x4e: {  	[tilespmem:$0x2870] =	vst v1;
	v1 =	vshrl.u32 v2, $0x10  }
0x4f: {  	s28 =	simm.s32 $0x0;
	[tilespmem:$0x2970] =	vst v1  }
0x50: {  	[tilespmem:s16], [sflag:$0x1] =	stream.indirect.gather [hbm4b:s4+s13], $0x80, s17, s13, $0xb8;
	[tilespmem:$0x1EA00] =	vst v63  }
0x51: {  	v1 =	vld [tilespmem:s28+$0x80];
	_ =	sdelay $0x4  }
0x52: {  	v2 =	vand.u32 $0xFFFF, v1  }
0x53: {  	v1 =	vshrl.u32 v1, $0x10;
	[tilespmem:$0x2880] =	vst v2  }
0x54: {  	[tilespmem:$0x2980] =	vst v1  }
0x55: {  	v1 =	vld [tilespmem:s28+$0x90];
	_ =	sdelay $0x4  }
0x56: {  	v2 =	vand.u32 $0xFFFF, v1  }
0x57: {  	v1 =	vshrl.u32 v1, $0x10;
	[tilespmem:$0x2890] =	vst v2  }
0x58: {  	[tilespmem:$0x2990] =	vst v1  }
0x59: {  	v1 =	vld [tilespmem:s28+$0xA0];
	_ =	sdelay $0x4  }
0x5a: {  	v2 =	vand.u32 $0xFFFF, v1  }
0x5b: {  	v1 =	vshrl.u32 v1, $0x10;
	[tilespmem:$0x28A0] =	vst v2  }
0x5c: {  	[tilespmem:$0x29A0] =	vst v1  }
0x5d: {  	v1 =	vld [tilespmem:s28+$0xB0];
	_ =	sdelay $0x4  }
0x5e: {  	v2 =	vand.u32 $0xFFFF, v1  }
0x5f: {  	v1 =	vshrl.u32 v1, $0x10;
	[tilespmem:$0x28B0] =	vst v2  }
0x60: {  	[tilespmem:$0x29B0] =	vst v1  }
0x61: {  	v1 =	vld [tilespmem:s28+$0xC0];
	_ =	sdelay $0x4  }
0x62: {  	v2 =	vand.u32 $0xFFFF, v1  }
0x63: {  	v1 =	vshrl.u32 v1, $0x10;
	[tilespmem:$0x28C0] =	vst v2  }
0x64: {  	[tilespmem:$0x29C0] =	vst v1  }
0x65: {  	v1 =	vld [tilespmem:s28+$0xD0];
	_ =	sdelay $0x4  }
0x66: {  	v2 =	vand.u32 $0xFFFF, v1  }
0x67: {  	v1 =	vshrl.u32 v1, $0x10;
	[tilespmem:$0x28D0] =	vst v2  }
0x68: {  	[tilespmem:$0x29D0] =	vst v1  }
0x69: {  	v1 =	vld [tilespmem:s28+$0xE0];
	_ =	sdelay $0x4  }
0x6a: {  	v2 =	vand.u32 $0xFFFF, v1  }
0x6b: {  	v1 =	vshrl.u32 v1, $0x10;
	[tilespmem:$0x28E0] =	vst v2  }
0x6c: {  	[tilespmem:$0x29E0] =	vst v1  }
0x6d: {  	v1 =	vld [tilespmem:s28+$0xF0];
	_ =	sdelay $0x4  }
0x6e: {  	v2 =	vand.u32 $0xFFFF, v1  }
0x6f: {  	v1 =	vshrl.u32 v1, $0x10;
	[tilespmem:$0x28F0] =	vst v2  }
0x70: {  	[tilespmem:$0x29F0] =	vst v1  }
0x71: {  	[tilespmem:s19], [sflag:$0x2] =	stream.indirect.gather [hbm4b:s4+s13], $0x80, s18, s13, $0xb8;
	[tilespmem:$0x1EA00] =	vst v63  }
0x72: {  	_ =	swait.ge [sflag:s20], $0x4000  }
0x73: {  	[sflag:s20] =	ssyncset.done $0x0  }
0x74: {  	[sflag:s20] =	ssyncadd.s32 $0xFFFFC000  }
0x75: {  	[spmem:s2] =	stream.indirect.scatter.add.f32 [tilespmem:s16], [sflag:$0x3], $0x80, s21, s13, $0xb8;
	[tilespmem:$0x1EA00] =	vst v63  }
0x76: {  	_ =	swait.ge [sflag:s15], $0x4000  }
0x77: {  	[sflag:s15] =	ssyncset.done $0x0  }
0x78: {  	[sflag:s15] =	ssyncadd.s32 $0xFFFFC000  }
0x79: {  	v1 =	vld [tilespmem:s28+$0x100];
	_ =	sdelay $0x4  }
0x7a: {  	v2 =	vand.u32 $0xFFFF, v1  }
0x7b: {  	v1 =	vshrl.u32 v1, $0x10;
	[tilespmem:$0x2800] =	vst v2  }
0x7c: {  	[tilespmem:$0x2900] =	vst v1  }
0x7d: {  	v1 =	vld [tilespmem:s28+$0x110];
	_ =	sdelay $0x4  }
0x7e: {  	v2 =	vand.u32 $0xFFFF, v1  }
0x7f: {  	v1 =	vshrl.u32 v1, $0x10;
	[tilespmem:$0x2810] =	vst v2  }
0x80: {  	[tilespmem:$0x2910] =	vst v1  }
0x81: {  	v1 =	vld [tilespmem:s28+$0x120];
	_ =	sdelay $0x4  }
0x82: {  	v2 =	vand.u32 $0xFFFF, v1  }
0x83: {  	v1 =	vshrl.u32 v1, $0x10;
	[tilespmem:$0x2820] =	vst v2  }
0x84: {  	[tilespmem:$0x2920] =	vst v1  }
0x85: {  	v1 =	vld [tilespmem:s28+$0x130];
	_ =	sdelay $0x4  }
0x86: {  	v2 =	vand.u32 $0xFFFF, v1  }
0x87: {  	v1 =	vshrl.u32 v1, $0x10;
	[tilespmem:$0x2830] =	vst v2  }
0x88: {  	[tilespmem:$0x2930] =	vst v1  }
0x89: {  	v1 =	vld [tilespmem:s28+$0x140];
	_ =	sdelay $0x4  }
0x8a: {  	v2 =	vand.u32 $0xFFFF, v1  }
0x8b: {  	v1 =	vshrl.u32 v1, $0x10;
	[tilespmem:$0x2840] =	vst v2  }
0x8c: {  	[tilespmem:$0x2940] =	vst v1  }
0x8d: {  	v1 =	vld [tilespmem:s28+$0x150];
	_ =	sdelay $0x4  }
0x8e: {  	v2 =	vand.u32 $0xFFFF, v1  }
0x8f: {  	v1 =	vshrl.u32 v1, $0x10;
	[tilespmem:$0x2850] =	vst v2  }
0x90: {  	[tilespmem:$0x2950] =	vst v1  }
0x91: {  	v1 =	vld [tilespmem:s28+$0x160];
	_ =	sdelay $0x4  }
0x92: {  	v2 =	vand.u32 $0xFFFF, v1  }
0x93: {  	s29 =	simm.s32 $0x400;
	v1 =	vshrl.u32 v1, $0x10;
	[tilespmem:$0x2860] =	vst v2  }
.LBB2_4:
0x94: {  	p0 =	sne.s32 s29, $0x9800;
	[tilespmem:$0x2960] =	vst v1;
	s30 =	smov.u32 s29;
	s29 =	sadd.s32 $0x400, s29  }
0x95: {  	v1 =	vld [tilespmem:s28+$0x170];
	_ =	sdelay $0x4  }
0x96: {  	v2 =	vand.u32 $0xFFFF, v1;
	v1 =	vshrl.u32 v1, $0x10  }
0x97: {  	[tilespmem:$0x2870] =	vst v2  }
0x98: {  	[tilespmem:$0x2970] =	vst v1  }
0x99: {  	[tilespmem:s16], [sflag:$0x1] =	stream.indirect.gather [hbm4b:s4+s13], $0x80, s17, s13, $0xb8;
	[tilespmem:$0x1EA00] =	vst v63  }
0x9a: {  	_ =	swait.ge [sflag:s22], $0x4000  }
0x9b: {  	[sflag:s22] =	ssyncset.done $0x0  }
0x9c: {  	[sflag:s22] =	ssyncadd.s32 $0xFFFFC000  }
0x9d: {  	[spmem:s2] =	stream.indirect.scatter.add.f32 [tilespmem:s19], [sflag:$0x3], $0x80, s23, s13, $0xb8;
	[tilespmem:$0x1EA00] =	vst v63  }
0x9e: {  	_ =	swait.ge [sflag:s15], $0x4000  }
0x9f: {  	[sflag:s15] =	ssyncset.done $0x0  }
0xa0: {  	s28 =	sshra.s32 s30, $0x2;
	[sflag:s15] =	ssyncadd.s32 $0xFFFFC000  }
0xa1: {  	v1 =	vld [tilespmem:s28+$0x80];
	_ =	sdelay $0x4  }
0xa2: {  	v2 =	vand.u32 $0xFFFF, v1;
	v1 =	vshrl.u32 v1, $0x10  }
0xa3: {  	[tilespmem:$0x2880] =	vst v2  }
0xa4: {  	[tilespmem:$0x2980] =	vst v1  }
0xa5: {  	v1 =	vld [tilespmem:s28+$0x90];
	_ =	sdelay $0x4  }
0xa6: {  	v2 =	vand.u32 $0xFFFF, v1;
	v1 =	vshrl.u32 v1, $0x10  }
0xa7: {  	[tilespmem:$0x2890] =	vst v2  }
0xa8: {  	[tilespmem:$0x2990] =	vst v1  }
0xa9: {  	v1 =	vld [tilespmem:s28+$0xA0];
	_ =	sdelay $0x4  }
0xaa: {  	v2 =	vand.u32 $0xFFFF, v1;
	v1 =	vshrl.u32 v1, $0x10  }
0xab: {  	[tilespmem:$0x28A0] =	vst v2  }
0xac: {  	[tilespmem:$0x29A0] =	vst v1  }
0xad: {  	v1 =	vld [tilespmem:s28+$0xB0];
	_ =	sdelay $0x4  }
0xae: {  	v2 =	vand.u32 $0xFFFF, v1;
	v1 =	vshrl.u32 v1, $0x10  }
0xaf: {  	[tilespmem:$0x28B0] =	vst v2  }
0xb0: {  	[tilespmem:$0x29B0] =	vst v1  }
0xb1: {  	v1 =	vld [tilespmem:s28+$0xC0];
	_ =	sdelay $0x4  }
0xb2: {  	v2 =	vand.u32 $0xFFFF, v1;
	v1 =	vshrl.u32 v1, $0x10  }
0xb3: {  	[tilespmem:$0x28C0] =	vst v2  }
0xb4: {  	[tilespmem:$0x29C0] =	vst v1  }
0xb5: {  	v1 =	vld [tilespmem:s28+$0xD0];
	_ =	sdelay $0x4  }
0xb6: {  	v2 =	vand.u32 $0xFFFF, v1;
	v1 =	vshrl.u32 v1, $0x10  }
0xb7: {  	[tilespmem:$0x28D0] =	vst v2  }
0xb8: {  	[tilespmem:$0x29D0] =	vst v1  }
0xb9: {  	v1 =	vld [tilespmem:s28+$0xE0];
	_ =	sdelay $0x4  }
0xba: {  	v2 =	vand.u32 $0xFFFF, v1;
	v1 =	vshrl.u32 v1, $0x10  }
0xbb: {  	[tilespmem:$0x28E0] =	vst v2  }
0xbc: {  	[tilespmem:$0x29E0] =	vst v1  }
0xbd: {  	v1 =	vld [tilespmem:s28+$0xF0];
	_ =	sdelay $0x4  }
0xbe: {  	v2 =	vand.u32 $0xFFFF, v1;
	v1 =	vshrl.u32 v1, $0x10  }
0xbf: {  	[tilespmem:$0x28F0] =	vst v2  }
0xc0: {  	[tilespmem:$0x29F0] =	vst v1  }
0xc1: {  	[tilespmem:s19], [sflag:$0x2] =	stream.indirect.gather [hbm4b:s4+s13], $0x80, s18, s13, $0xb8;
	[tilespmem:$0x1EA00] =	vst v63  }
0xc2: {  	_ =	swait.ge [sflag:s20], $0x4000  }
0xc3: {  	[sflag:s20] =	ssyncset.done $0x0  }
0xc4: {  	[sflag:s20] =	ssyncadd.s32 $0xFFFFC000  }
0xc5: {  	[spmem:s2] =	stream.indirect.scatter.add.f32 [tilespmem:s16], [sflag:$0x3], $0x80, s21, s13, $0xb8;
	[tilespmem:$0x1EA00] =	vst v63  }
0xc6: {  	_ =	swait.ge [sflag:s15], $0x4000  }
0xc7: {  	[sflag:s15] =	ssyncset.done $0x0  }
0xc8: {  	[sflag:s15] =	ssyncadd.s32 $0xFFFFC000  }
0xc9: {  	v1 =	vld [tilespmem:s28+$0x100];
	_ =	sdelay $0x4  }
0xca: {  	v2 =	vand.u32 $0xFFFF, v1;
	v1 =	vshrl.u32 v1, $0x10  }
0xcb: {  	[tilespmem:$0x2800] =	vst v2  }
0xcc: {  	[tilespmem:$0x2900] =	vst v1  }
0xcd: {  	v1 =	vld [tilespmem:s28+$0x110];
	_ =	sdelay $0x4  }
0xce: {  	v2 =	vand.u32 $0xFFFF, v1;
	v1 =	vshrl.u32 v1, $0x10  }
0xcf: {  	[tilespmem:$0x2810] =	vst v2  }
0xd0: {  	[tilespmem:$0x2910] =	vst v1  }
0xd1: {  	v1 =	vld [tilespmem:s28+$0x120];
	_ =	sdelay $0x4  }
0xd2: {  	v2 =	vand.u32 $0xFFFF, v1;
	v1 =	vshrl.u32 v1, $0x10  }
0xd3: {  	[tilespmem:$0x2820] =	vst v2  }
0xd4: {  	[tilespmem:$0x2920] =	vst v1  }
0xd5: {  	v1 =	vld [tilespmem:s28+$0x130];
	_ =	sdelay $0x4  }
0xd6: {  	v2 =	vand.u32 $0xFFFF, v1;
	v1 =	vshrl.u32 v1, $0x10  }
0xd7: {  	[tilespmem:$0x2830] =	vst v2  }
0xd8: {  	[tilespmem:$0x2930] =	vst v1  }
0xd9: {  	v1 =	vld [tilespmem:s28+$0x140];
	_ =	sdelay $0x4  }
0xda: {  	v2 =	vand.u32 $0xFFFF, v1;
	v1 =	vshrl.u32 v1, $0x10  }
0xdb: {  	[tilespmem:$0x2840] =	vst v2  }
0xdc: {  	[tilespmem:$0x2940] =	vst v1  }
0xdd: {  	v1 =	vld [tilespmem:s28+$0x150];
	_ =	sdelay $0x4  }
0xde: {  	v2 =	vand.u32 $0xFFFF, v1;
	v1 =	vshrl.u32 v1, $0x10  }
0xdf: {  	[tilespmem:$0x2850] =	vst v2  }
0xe0: {  	[tilespmem:$0x2950] =	vst v1  }
0xe1: {  	v1 =	vld [tilespmem:s28+$0x160];
	_ =	sdelay $0x1  }
.Ltmp1:
0xe2: {  	(pc) =	sbr.rel @p0 .LBB2_4-.Ltmp1, $3  }
0xe3: {  	_ =	sdelay $0x1  }
0xe4: {  	v2 =	vand.u32 $0xFFFF, v1;
	v1 =	vshrl.u32 v1, $0x10  }
0xe5: {  	[tilespmem:$0x2860] =	vst v2  }
0xe6: {  	[tilespmem:$0x2960] =	vst v1  }
0xe7: {  	v1 =	vld [tilespmem:s28+$0x170];
	_ =	sdelay $0x4  }
0xe8: {  	v2 =	vand.u32 $0xFFFF, v1  }
0xe9: {  	v1 =	vshrl.u32 v1, $0x10;
	[tilespmem:$0x2870] =	vst v2  }
0xea: {  	[tilespmem:$0x2970] =	vst v1  }
0xeb: {  	[tilespmem:s16], [sflag:$0x1] =	stream.indirect.gather [hbm4b:s4+s13], $0x80, s17, s13, $0xb8;
	[tilespmem:$0x1EA00] =	vst v63  }
0xec: {  	_ =	swait.ge [sflag:s22], $0x4000  }
0xed: {  	[sflag:s22] =	ssyncset.done $0x0  }
0xee: {  	[sflag:s22] =	ssyncadd.s32 $0xFFFFC000  }
0xef: {  	[spmem:s2] =	stream.indirect.scatter.add.f32 [tilespmem:s19], [sflag:$0x3], $0x80, s23, s13, $0xb8;
	[tilespmem:$0x1EA00] =	vst v63  }
0xf0: {  	_ =	swait.ge [sflag:s15], $0x4000  }
0xf1: {  	[sflag:s15] =	ssyncset.done $0x0  }
0xf2: {  	[sflag:s15] =	ssyncadd.s32 $0xFFFFC000  }
0xf3: {  	v1 =	vld [tilespmem:$0x2780];
	_ =	sdelay $0x1  }
0xf4: {  	v2 =	vld [tilespmem:$0x2790];
	_ =	sdelay $0x1  }
0xf5: {  	v3 =	vld [tilespmem:$0x27A0]  }
0xf6: {  	v4 =	vand.u32 $0xFFFF, v1  }
0xf7: {  	v62 =	vld [tilespmem:$0x27B0];
	v1 =	vshrl.u32 v1, $0x10;
	[tilespmem:$0x2880] =	vst v4  }
0xf8: {  	[tilespmem:$0x2980] =	vst v1;
	v1 =	vand.u32 $0xFFFF, v2  }
0xf9: {  	[tilespmem:$0x2890] =	vst v1;
	v1 =	vshrl.u32 v2, $0x10;
	v2 =	vld [tilespmem:$0x27C0]  }
0xfa: {  	[tilespmem:$0x2990] =	vst v1;
	v1 =	vand.u32 $0xFFFF, v3  }
0xfb: {  	[tilespmem:$0x28A0] =	vst v1;
	v1 =	vshrl.u32 v3, $0x10;
	v3 =	vld [tilespmem:$0x27D0]  }
0xfc: {  	[tilespmem:$0x29A0] =	vst v1;
	v1 =	vand.u32 $0xFFFF, v62  }
0xfd: {  	v63 =	vld [tilespmem:$0x27E0];
	[tilespmem:$0x28B0] =	vst v1;
	v1 =	vshrl.u32 v62, $0x10  }
0xfe: {  	[tilespmem:$0x29B0] =	vst v1;
	v1 =	vand.u32 $0xFFFF, v2  }
0xff: {  	[tilespmem:$0x28C0] =	vst v1;
	v1 =	vshrl.u32 v2, $0x10;
	v2 =	vld [tilespmem:$0x27F0]  }
0x100: {  	[tilespmem:$0x29C0] =	vst v1;
	v1 =	vand.u32 $0xFFFF, v3  }
0x101: {  	[tilespmem:$0x28D0] =	vst v1;
	v1 =	vshrl.u32 v3, $0x10  }
0x102: {  	[tilespmem:$0x29D0] =	vst v1;
	v1 =	vand.u32 $0xFFFF, v63  }
0x103: {  	[tilespmem:$0x28E0] =	vst v1;
	v1 =	vshrl.u32 v63, $0x10  }
0x104: {  	[tilespmem:$0x29E0] =	vst v1;
	v1 =	vand.u32 $0xFFFF, v2  }
0x105: {  	[tilespmem:$0x28F0] =	vst v1;
	v1 =	vshrl.u32 v2, $0x10  }
0x106: {  	[tilespmem:$0x29F0] =	vst v1  }
0x107: {  	[tilespmem:s19], [sflag:$0x2] =	stream.indirect.gather [hbm4b:s4+s13], $0x80, s18, s13, $0xb8;
	[tilespmem:$0x1EA00] =	vst v63  }
0x108: {  	_ =	swait.ge [sflag:s20], $0x4000  }
0x109: {  	[sflag:s20] =	ssyncset.done $0x0  }
0x10a: {  	[sflag:s20] =	ssyncadd.s32 $0xFFFFC000  }
0x10b: {  	[spmem:s2] =	stream.indirect.scatter.add.f32 [tilespmem:s16], [sflag:$0x3], $0x80, s21, s13, $0xb8;
	[tilespmem:$0x1EA00] =	vst v63  }
0x10c: {  	_ =	swait.ge [sflag:s15], $0x4000  }
0x10d: {  	[sflag:s15] =	ssyncset.done $0x0  }
0x10e: {  	[sflag:s15] =	ssyncadd.s32 $0xFFFFC000  }
0x10f: {  	_ =	swait.ge [sflag:s22], $0x4000  }
0x110: {  	[sflag:s22] =	ssyncset.done $0x0  }
0x111: {  	[sflag:s22] =	ssyncadd.s32 $0xFFFFC000  }
0x112: {  	[spmem:s2] =	stream.indirect.scatter.add.f32 [tilespmem:s19], [sflag:$0x3], $0x80, s23, s13, $0xb8;
	[tilespmem:$0x1EA00] =	vst v63  }
0x113: {  	_ =	swait.ge [sflag:s15], $0x4000  }
0x114: {  	s26 =	sadd.s32 $0x1, s26;
	[sflag:s15] =	ssyncset.done $0x0  }
0x115: {  	p0 =	sne.s32 s26, s8;
	[sflag:s15] =	ssyncadd.s32 $0xFFFFC000  }
.Ltmp2:
0x116: {  	[bflag:$0x0] =	sbarrier.arrive $0xFFFF;
	(pc) =	sbr.rel @p0 .LBB2_1-.Ltmp2, $4  }
0x117: {  	[hbm:s7], [sflag:s24] =	dma.local [spmem:s25], $0x2800  }
0x118: {  	_ =	swait.ge [sflag:s15], $0x2800  }
0x119: {  	[sflag:s15] =	ssyncset.done $0x0  }
0x11a: {  	[sflag:s15] =	ssyncadd.s32 $0xFFFFD800  }
0x11b: {  	_ =	sfence.sel $0x180000  }
0x11c: {  	[bflag:$0x0] =	sbarrier.arrive $0xFFFF  }
0x11d: {  	p0 =	sne.s32 s0, $0x0;
	_ =	strace $0x9000004D  }
0x11e: {  	s0 =	sadd.s32 @!p0 $0x100000, s1;
	[bflag:$0x2] =	sbarrier.arrive $0xFFFF  }
0x11f: {  	[sflag:s0] =	ssyncadd.tile.s32 @!p0 $0x1;
	_ =	shalt  }
.Lfunc_end2:
_tile_overlayer_lowered:
.L_overlay_start_2:
0x120: {  	(tag) =	ssettag $0x2  }
0x121: {  	s0 =	rddreg [dreg:$0x0];
	s2 =	stileid.u32  }
0x122: {  	s1 =	rddreg [dreg:$0x1];
	p0 =	sne.s32 s2, $0x0  }
0x123: {  	s3 =	rddreg [dreg:$0x2];
	[bflag:$0x3] =	sbarrier.arrive $0xFFFF;
	s2 =	simm.s32 @!p0 $0x1C03  }
0x124: {  	[timem:s3], [sflag:s2] =	dma.local @!p0 [hbm:s0], s1  }
0x125: {  	s0 =	simm.s32 @!p0 $0x3  }
0x126: {  	_ =	swait.ge @!p0 [sflag:s0], s1  }
0x127: {  	s1 =	ssub.s32 @!p0 $0x0, s1;
	[sflag:s0] =	ssyncset.done @!p0 $0x0  }
0x128: {  	[sflag:s0] =	ssyncadd.s32 @!p0 s1  }
0x129: {  	[bflag:$0x3] =	sbarrier.arrive $0xFFFF  }
0x12a: {  	_ =	shalt  }

// kernel: kernel.9.cloned.1.call-start
scs
__scs_entry_jumppad:
0x0: {  	(pc) =	sbr.rel $0x88, $3  }
0x1: {  	(tag) =	ssettag $0x0;
	lr =	simm.s32 $0x1  }
0x2: {  	[smem:$0x3F97] =	sst lr;
	_ =	strace $0xD0000000  }
0x3: {  	_ = 	snop  }
0x4: {  	_ = 	snop  }
0x5: {  	_ = 	snop  }
0x6: {  	_ = 	snop  }
0x7: {  	_ = 	snop  }
__scs_overlays_trampoline_lowered:
0x8: {  	[smem:$0x3FA6] =	sst s0  }
0x9: {  	[smem:$0x3FA7] =	sst s1  }
0xa: {  	[smem:$0x3FA8] =	sst s2  }
0xb: {  	[smem:$0x3FA9] =	sst s3  }
0xc: {  	[smem:$0x3FAA] =	sst s4  }
0xd: {  	[smem:$0x3FAB] =	sst s5  }
0xe: {  	[smem:$0x3FAC] =	sst s6  }
0xf: {  	[smem:$0x3FAD] =	sst s7  }
0x10: {  	[smem:$0x3FAE] =	sst s8  }
0x11: {  	[smem:$0x3FAF] =	sst s9;
	s0 =	simm.s32 @!p0 $0x0  }
0x12: {  	s1 =	sld [smem:$0x3F95];
	s0 =	simm.s32 @p0 $0x1  }
0x13: {  	[smem:$0x3FB0] =	sst s0;
	s0 =	simm.s32 @!p1 $0x0  }
0x14: {  	s2 =	sld [smem:$0x3F94];
	s0 =	simm.s32 @p1 $0x1  }
0x15: {  	[smem:$0x3FB1] =	sst s0;
	s0 =	simm.s32 @!p2 $0x0  }
0x16: {  	s3 =	sld [smem:$0x3FDB];
	s0 =	simm.s32 @p2 $0x1  }
0x17: {  	s4 =	simm.s32 $0x1BF5;
	[smem:$0x3FB3] =	sst s0  }
0x18: {  	s0 =	sld [smem:$0x3F96];
	_ =	swait.ge [sflag:s4], $0x0  }
0x19: {  	s7 =	sld [smem:$0x3F97]  }
0x1a: {  	s8 =	sadd.s32 $0xFFFFE003, lr  }
0x1b: {  	s9 =	sadd.s32 $0xFFFFFEF7, lr;
	s5 =	simm.s32 $0xFFFFFFFF;
	p2 =	slt.u32 s8, $0xFFFFF086  }
0x1c: {  	p1 =	slt.u32 s9, $0xF7A;
	s5 =	simm.s32 @!p2 $0x0  }
0x1d: {  	s5 =	simm.s32 @p1 $0x1;
	p0 =	seq.s32 s7, s2  }
0x1e: {  	s7 =	smul.u32 @!p0 $0xF7A, s2;
	p2 =	seq.s32 @!p0 s5, $0x0  }
0x1f: {  	s9 =	smul.u32 $0xF7A, s1;
	s8 =	simm.s32 @!p0 $0x1BF5;
	p2 =	por !p2, p0  }
0x20: {  	[sflag:s8] =	ssyncset.s32 @!p0 $0xFFFFF086;
	s6 =	sadd.s32 @!p0 s3, s7;
	s7 =	simm.s32 @!p0 $0x108  }
0x21: {  	s3 =	sadd.s32 s3, s9;
	s6 =	sadd.s32 @!p0 $0x88, s6;
	s7 =	simm.s32 @p2 $0x1082  }
0x22: {  	[simem:s7], [sflag:s8] =	dma.local @!p0 [hbm:s6], $0xF7A  }
0x23: {  	s9 =	sor.u32 $0xD0000000, s2;
	s6 =	simm.s32 $0x108;
	_ =	swait.ge @!p0 [sflag:s8], $0x0  }
0x24: {  	s3 =	sadd.s32 $0x88, s3;
	s6 =	simm.s32 @!p1 $0x1082;
	[sflag:s4] =	ssyncset.s32 $0xFFFFF086  }
0x25: {  	[simem:s6], [sflag:s4] =	dma.local [hbm:s3], $0xF7A  }
0x26: {  	[smem:$0x3F97] =	sst s1;
	(tag) =	ssettag s2;
	_ =	strace s9  }
0x27: {  	s1 =	sld [smem:$0x3FA7]  }
0x28: {  	s2 =	sld [smem:$0x3FA8]  }
0x29: {  	s4 =	sld [smem:$0x3FAA]  }
0x2a: {  	p0 =	seq.s32 s5, $0x0;
	s5 =	sld [smem:$0x3FAB]  }
0x2b: {  	s6 =	sld [smem:$0x3FAC]  }
0x2c: {  	s7 =	sld [smem:$0x3FAD]  }
0x2d: {  	s3 =	simm.s32 $0x108;
	s8 =	sld [smem:$0x3FAE]  }
0x2e: {  	s3 =	simm.s32 @!p0 $0x1082;
	s9 =	sld [smem:$0x3FAF]  }
0x2f: {  	lr =	sadd.s32 s0, s3;
	s0 =	sld [smem:$0x3FA6]  }
0x30: {  	s3 =	sld [smem:$0x3FA9]  }
0x31: {  	[smem:$0x3FB2] =	sst s10  }
0x32: {  	s10 =	sld [smem:$0x3FB0];
	_ =	sdelay $0x3  }
0x33: {  	p0 =	seq.s32 s10, $0x1;
	s10 =	sld [smem:$0x3FB2];
	_ =	sdelay $0x3  }
0x34: {  	[smem:$0x3FB2] =	sst s10  }
0x35: {  	s10 =	sld [smem:$0x3FB1];
	_ =	sdelay $0x3  }
0x36: {  	p1 =	seq.s32 s10, $0x1;
	s10 =	sld [smem:$0x3FB2];
	_ =	sdelay $0x3  }
0x37: {  	[smem:$0x3FB2] =	sst s10  }
0x38: {  	s10 =	sld [smem:$0x3FB3]  }
0x39: {  	_ = 	snop;
	(pc) =	sbr.ind lr, $3  }
0x3a: {  	_ = 	snop  }
0x3b: {  	_ = 	snop  }
0x3c: {  	p2 =	seq.s32 s10, $0x1;
	s10 =	sld [smem:$0x3FB2]  }
0x3d: {  	_ =	shalt  }
0x3e: {  	_ =	shalt  }
0x3f: {  	_ =	shalt  }
0x40: {  	_ =	shalt  }
0x41: {  	_ =	shalt  }
0x42: {  	_ =	shalt  }
0x43: {  	_ =	shalt  }
0x44: {  	_ =	shalt  }
0x45: {  	_ =	shalt  }
0x46: {  	_ =	shalt  }
0x47: {  	_ =	shalt  }
0x48: {  	_ =	shalt  }
0x49: {  	_ =	shalt  }
0x4a: {  	_ =	shalt  }
0x4b: {  	_ =	shalt  }
0x4c: {  	_ =	shalt  }
0x4d: {  	_ =	shalt  }
0x4e: {  	_ =	shalt  }
0x4f: {  	_ =	shalt  }
0x50: {  	_ =	shalt  }
0x51: {  	_ =	shalt  }
0x52: {  	_ =	shalt  }
0x53: {  	_ =	shalt  }
0x54: {  	_ =	shalt  }
0x55: {  	_ =	shalt  }
0x56: {  	_ =	shalt  }
0x57: {  	_ =	shalt  }
0x58: {  	_ =	shalt  }
0x59: {  	_ =	shalt  }
0x5a: {  	_ =	shalt  }
0x5b: {  	_ =	shalt  }
0x5c: {  	_ =	shalt  }
0x5d: {  	_ =	shalt  }
0x5e: {  	_ =	shalt  }
0x5f: {  	_ =	shalt  }
0x60: {  	_ =	shalt  }
0x61: {  	_ =	shalt  }
0x62: {  	_ =	shalt  }
0x63: {  	_ =	shalt  }
0x64: {  	_ =	shalt  }
0x65: {  	_ =	shalt  }
0x66: {  	_ =	shalt  }
0x67: {  	_ =	shalt  }
0x68: {  	_ =	shalt  }
0x69: {  	_ =	shalt  }
0x6a: {  	_ =	shalt  }
0x6b: {  	_ =	shalt  }
0x6c: {  	_ =	shalt  }
0x6d: {  	_ =	shalt  }
0x6e: {  	_ =	shalt  }
0x6f: {  	_ =	shalt  }
0x70: {  	_ =	shalt  }
0x71: {  	_ =	shalt  }
0x72: {  	_ =	shalt  }
0x73: {  	_ =	shalt  }
0x74: {  	_ =	shalt  }
0x75: {  	_ =	shalt  }
0x76: {  	_ =	shalt  }
0x77: {  	_ =	shalt  }
0x78: {  	_ =	shalt  }
0x79: {  	_ =	shalt  }
0x7a: {  	_ =	shalt  }
0x7b: {  	_ =	shalt  }
0x7c: {  	_ =	shalt  }
0x7d: {  	_ =	shalt  }
0x7e: {  	_ =	shalt  }
0x7f: {  	_ =	shalt  }
0x80: {  	_ =	shalt  }
0x81: {  	_ =	shalt  }
0x82: {  	_ =	shalt  }
0x83: {  	_ =	shalt  }
0x84: {  	_ =	shalt  }
0x85: {  	_ =	shalt  }
0x86: {  	_ =	shalt  }
0x87: {  	_ =	shalt  }
.Lfunc_end0:
.L_simem_size_0:
called_computation_lowered:
.L_overlay_start_0:
0x88: {  	s2 =	sld [smem:$0x3FD9]  }
0x89: {  	s3 =	sld [smem:$0x3FFE];
	_ =	sdelay $0x1  }
0x8a: {  	s1 =	srdreg.scid  }
0x8b: {  	s0 =	sand.u32 $0x1, s1  }
0x8c: {  	s17 =	sshll.u32 s0, $0xA;
	s2 =	sadd.s32 s3, s2  }
0x8d: {  	s2 =	sadd.s32 s2, s17  }
0x8e: {  	[smem:$0x3FBE] =	sst s2  }
0x8f: {  	_ = 	snop  }
0x90: {  	s2 =	sld [smem:$0x3FC8];
	(tm) =	ssettm $0x1  }
0x91: {  	s18 =	sld [smem:$0x3FFB];
	_ =	sdelay $0x3  }
0x92: {  	_ =	strace s18  }
0x93: {  	s3 =	sld [smem:$0x3FFC];
	_ =	sdelay $0x3  }
0x94: {  	_ =	strace s3  }
0x95: {  	s3 =	sld [smem:$0x3FFD];
	_ =	sdelay $0x3  }
0x96: {  	_ =	strace s3  }
0x97: {  	_ =	strace $0x8FFFFFFF  }
0x98: {  	s19 =	sld [smem:$0x3FDB];
	_ =	sdelay $0x1  }
0x99: {  	s4 =	simm.s32 $_scs_section_size  }
0x9a: {  	s5 =	simm.s32 $_size__tile_overlayer_lowered;
	s6 =	simm.s32 $_tile_overlayer_lowered  }
0x9b: {  	s22 =	simm.s32 $0x1BFF;
	s21 =	sshll.u32 s6, $0x1;
	s3 =	sadd.s32 s4, s19  }
0x9c: {  	s7 =	simm.s32 $0x0;
	s20 =	sshll.u32 s5, $0x1;
	s5 =	sadd.s32 s21, s3  }
0x9d: {  	[timem:s7], [sflag:s22] =	dma.local [hbm:s5], s20  }
0x9e: {  	_ =	swait.ge [sflag:s22], s20  }
0x9f: {  	s4 =	ssub.s32 $0x0, s20;
	[sflag:s22] =	ssyncset.done $0x0  }
0xa0: {  	[sflag:s22] =	ssyncadd.s32 s4;
	_ =	sdelay $0x1  }
0xa1: {  	s23 =	simm.s32 $0x1B8B  }
0xa2: {  	_ =	swait.ge [sflag:s23], $0x1  }
0xa3: {  	[sflag:s23] =	ssyncset.done $0x0  }
0xa4: {  	s25 =	simm.s32 $0x1B8E;
	s24 =	sld [smem:$0x3FFE];
	[sflag:s23] =	ssyncadd.s32 $0xFFFFFFFF  }
0xa5: {  	s26 =	simm.s32 $execute0_lowered;
	[smem:$0x3FD2] =	sst s25  }
0xa6: {  	s5 =	sshll.u32 s26, $0x1;
	_ =	strace $0x80000046;
	[dreg:$0x1] =	wrdreg $0xFFFFFFFF  }
0xa7: {  	s28 =	simm.s32 $_size_execute0_lowered;
	s3 =	sadd.s32 s3, s5;
	[dreg:$0x0] =	wrdreg $0x0  }
0xa8: {  	s5 =	sshll.u32 s28, $0x1;
	[dreg:$0x2] =	wrdreg s3  }
0xa9: {  	[dreg:$0x3] =	wrdreg s5  }
0xaa: {  	[dreg:$0x4] =	wrdreg $0xC0  }
0xab: {  	_ =	task [dreg:s7], $0x5FFFF  }
0xac: {  	[dreg:$0x1] =	wrdreg $0xFFFFFFFF  }
0xad: {  	[dreg:$0x0] =	wrdreg $0x60  }
0xae: {  	[dreg:$0x2] =	wrdreg s2  }
0xaf: {  	[dreg:$0x3] =	wrdreg s24  }
0xb0: {  	[dreg:$0x4] =	wrdreg $0x40800  }
0xb1: {  	[dreg:$0x5] =	wrdreg $0x9  }
0xb2: {  	_ =	task.clear_ibuf [dreg:s7], $0x6FFFF;
	_ =	strace $0x90000046  }
0xb3: {  	s29 =	simm.s32 $0x9;
	_ =	strace $0x80000048  }
0xb4: {  	_ =	swait.ge [sflag:s29], $0x1  }
0xb5: {  	[sflag:s29] =	ssyncadd.s32 $0xFFFFFFFF  }
0xb6: {  	_ =	strace $0x90000048  }
0xb7: {  	_ =	sfence  }
0xb8: {  	s30 =	sld [smem:$0x0];
	_ =	sdelay $0x2  }
0xb9: {  	s31 =	sshll.u32 s1, $0xD;
	s1 =	sshrl.u32 s1, $0x2  }
0xba: {  	s3 =	sand.u32 $0x4000, s31;
	s1 =	sadd.s32 s1, s30  }
0xbb: {  	s0 =	sor.u32 s3, s0;
	s1 =	sshll.u32 s1, $0x11  }
0xbc: {  	s0 =	sor.u32 s1, s0  }
0xbd: {  	s0 =	sadd.s32 $0x8F2B, s0  }
0xbe: {  	[sflag:s0] =	ssyncadd.remote.s32 $0x1  }
0xbf: {  	_ =	sfence.sel $0xFFFF  }
0xc0: {  	[dreg:$0x0] =	wrdreg $0xFFFFFFFF;
	(pc) =	sbr.abs _section_cstart, $3  }
0xc1: {  	[dreg:$0x1] =	wrdreg $0xFFFFFFFF  }
0xc2: {  	_ =	task.clear_ibuf [dreg:s7], $0x2FFFF;
	_ =	strace $0x9FFFFFFF  }
0xc3: {  	(tm) =	ssettm $0x7FFFFFFF  }
tec
execute0_lowered:
.L_overlay_start_1:
0x0: {  	(tag) =	ssettag $0x1  }
0x1: {  	s7 =	rddreg [dreg:$0x0]  }
0x2: {  	s4 =	rddreg [dreg:$0x1]  }
0x3: {  	s0 =	srdreg.scid;
	s2 =	rddreg [dreg:$0x2]  }
0x4: {  	s1 =	rddreg [dreg:$0x3];
	s6 =	sand.u32 $0x1, s0  }
0x5: {  	s3 =	simm.s32 $0x0;
	s0 =	stileid.u32;
	s5 =	smul.u32 $0x140000, s6  }
0x6: {  	s13 =	simm.s32 $0x80;
	s14 =	simm.s32 $0x1;
	s8 =	smul.u32 $0x14000, s0  }
0x7: {  	[smem:$0x7FF] =	sst s3;
	s28 =	ssub.s32 $0x2, s6;
	s9 =	smul.u32 $0x50000, s0  }
0x8: {  	_ =	strace $0x80000047;
	s12 =	sshll.u32 s6, $0x4;
	s31 =	sshll.u32 s6, $0x9  }
0x9: {  	s10 =	sshll.u32 s0, $0x5;
	s15 =	sshll.u32 s0, $0x6;
	s29 =	sshrl.u32 s28, $0x1  }
0xa: {  	s12 =	sor.u32 s12, s0;
	s15 =	sor.u32 $0x1C01, s15;
	s5 =	sadd.s32 s8, s5  }
0xb: {  	s8 =	ssub.s32 s28, s29;
	s30 =	sshrl.u32 s9, $0x2;
	s9 =	sadd.s32 s31, s7  }
0xc: {  	s5 =	sshrl.u32 s5, $0x3;
	s6 =	smax.u32 s8, $0x1;
	s11 =	sadd.s32 s10, s9  }
0xd: {  	s5 =	sadd.s32 s5, s4;
	s4 =	sadd.s32 s30, s2;
	s11 =	sadd.s32 $0x10, s11  }
0xe: {  	s5 =	sadd.s32 $0x2A00, s5;
	s7 =	sadd.s32 $0x4000, s4;
	s8 =	sadd.s32 $0x8000, s4  }
0xf: {  	v0 =	vimm.f32 $0.0e+00;
	v1 =	vimm.f32 $1.000000000e+00;
	s9 =	sadd.s32 $0xC000, s4;
	s10 =	sadd.s32 $0x10000, s4;
	s16 =	sshrl.u32 s4, $0x3  }
.LBB2_1:
0x10: {  	s17 =	simm.s32 $0x200;
	s18 =	simm.s32 $0x0  }
.LBB2_2:
0x11: {  	p0 =	sne.s32 s17, $0xFE00;
	[tilespmem:s18+$0x80] =	vst v0;
	s18 =	smov.u32 s17;
	s17 =	sadd.s32 $0x200, s17  }
.Ltmp0:
0x12: {  	(pc) =	sbr.rel @p0 .LBB2_2-.Ltmp0, $2  }
0x13: {  	_ =	sdelay $0x2  }
0x14: {  	s18 =	sshra.s32 s18, $0x2  }
0x15: {  	[tilespmem:s18+$0x80] =	vst v0  }
0x16: {  	[spmem:s4] =	stream.linear.scatter [tilespmem:s13], [sflag:$0x1], $0x4000, $0x38;
	[tilespmem:$0x6880] =	vst v63  }
0x17: {  	_ =	swait.ge [sflag:s14], $0x4000  }
0x18: {  	[sflag:s14] =	ssyncset.done $0x0  }
0x19: {  	[sflag:s14] =	ssyncadd.s32 $0xFFFFC000  }
0x1a: {  	[spmem:s7] =	stream.linear.scatter [tilespmem:s13], [sflag:$0x1], $0x4000, $0x38;
	[tilespmem:$0x6880] =	vst v63  }
0x1b: {  	_ =	swait.ge [sflag:s14], $0x4000  }
0x1c: {  	[sflag:s14] =	ssyncset.done $0x0  }
0x1d: {  	[sflag:s14] =	ssyncadd.s32 $0xFFFFC000  }
0x1e: {  	[spmem:s8] =	stream.linear.scatter [tilespmem:s13], [sflag:$0x1], $0x4000, $0x38;
	[tilespmem:$0x6880] =	vst v63  }
0x1f: {  	_ =	swait.ge [sflag:s14], $0x4000  }
0x20: {  	[sflag:s14] =	ssyncset.done $0x0  }
0x21: {  	[sflag:s14] =	ssyncadd.s32 $0xFFFFC000  }
0x22: {  	[spmem:s9] =	stream.linear.scatter [tilespmem:s13], [sflag:$0x1], $0x4000, $0x38;
	[tilespmem:$0x6880] =	vst v63  }
0x23: {  	_ =	swait.ge [sflag:s14], $0x4000  }
0x24: {  	[sflag:s14] =	ssyncset.done $0x0  }
0x25: {  	[sflag:s14] =	ssyncadd.s32 $0xFFFFC000  }
0x26: {  	[spmem:s10] =	stream.linear.scatter [tilespmem:s13], [sflag:$0x1], $0x4000, $0x38;
	[tilespmem:$0x6880] =	vst v63  }
0x27: {  	_ =	swait.ge [sflag:s14], $0x4000  }
0x28: {  	[sflag:s14] =	ssyncset.done $0x0  }
0x29: {  	s17 =	simm.s32 $0x200;
	s18 =	simm.s32 $0x0;
	[sflag:s14] =	ssyncadd.s32 $0xFFFFC000  }
.LBB2_4:
0x2a: {  	p0 =	sne.s32 s17, $0xFE00;
	[tilespmem:s18+$0x80] =	vst v1;
	s18 =	smov.u32 s17;
	s17 =	sadd.s32 $0x200, s17  }
.Ltmp1:
0x2b: {  	(pc) =	sbr.rel @p0 .LBB2_4-.Ltmp1, $2  }
0x2c: {  	_ =	sdelay $0x2  }
0x2d: {  	s18 =	sshra.s32 s18, $0x2  }
0x2e: {  	s17 =	sadd.s32 $0x0, s12  }
0x2f: {  	[tilespmem:s18+$0x80] =	vst v1;
	p0 =	sgt.u32 s17, $0x9C3  }
0x30: {  	[bflag:$0x0] =	sbarrier.arrive $0xFFFF;
	s18 =	simm.s32 @!p0 $0x0;
	s19 =	simm.s32 @!p0 $0x2  }
0x31: {  	[tilespmem:s18], [sflag:$0x2] =	stream.linear.gather @!p0 [hbm4b:s11+s18], $0x80, $0x38;
	[tilespmem:$0x6880] =	vst v63  }
0x32: {  	_ =	swait.ge @!p0 [sflag:s19], $0x80  }
0x33: {  	s31 =	sadd.s32 $0x20, s12;
	[sflag:s19] =	ssyncset.done @!p0 $0x0  }
0x34: {  	s20 =	simm.s32 @!p0 $0x80;
	[sflag:s19] =	ssyncadd.s32 @!p0 $0xFFFFFF80;
	s19 =	simm.s32 @!p0 $0x1  }
0x35: {  	[spmem:s2] =	stream.indirect.scatter.add.f32 @!p0 [tilespmem:s20], [sflag:$0x1], $0x10, s18, s20, $0xb8;
	[tilespmem:$0x6880] =	vst v63  }
0x36: {  	s17 =	simm.s32 $0x40;
	p1 =	por p0, p0;
	_ =	swait.ge @!p0 [sflag:s19], $0x800  }
0x37: {  	s18 =	sadd.s32 $0x400, s11;
	p0 =	sgt.u32 s31, $0x9C3;
	[sflag:s19] =	ssyncset.done @!p1 $0x0  }
.LBB2_6:
0x38: {  	s20 =	simm.s32 @!p0 $0x0;
	s21 =	simm.s32 @!p0 $0x2  }
0x39: {  	[sflag:s19] =	ssyncadd.s32 @!p1 $0xFFFFF800;
	s22 =	smov.u32 s17;
	s17 =	sadd.s32 $0x20, s17  }
0x3a: {  	[tilespmem:s20], [sflag:$0x2] =	stream.linear.gather @!p0 [hbm4b:s18+s20], $0x80, $0x38;
	[tilespmem:$0x6880] =	vst v63  }
0x3b: {  	p2 =	sne.s32 s17, $0x9E0;
	_ =	swait.ge @!p0 [sflag:s21], $0x80  }
.Ltmp2:
0x3c: {  	[sflag:s21] =	ssyncset.done @!p0 $0x0;
	(pc) =	sbr.rel @p2 .LBB2_6-.Ltmp2, $4  }
0x3d: {  	s19 =	simm.s32 @!p0 $0x1;
	[sflag:s21] =	ssyncadd.s32 @!p0 $0xFFFFFF80;
	s21 =	simm.s32 @!p0 $0x80  }
0x3e: {  	[spmem:s2] =	stream.indirect.scatter.add.f32 @!p0 [tilespmem:s21], [sflag:$0x1], $0x10, s20, s21, $0xb8;
	[tilespmem:$0x6880] =	vst v63  }
0x3f: {  	p1 =	por p0, p0;
	s20 =	sadd.s32 s22, s12;
	_ =	swait.ge @!p0 [sflag:s19], $0x800  }
0x40: {  	s18 =	sadd.s32 $0x400, s18;
	p0 =	sgt.u32 s20, $0x9C3;
	[sflag:s19] =	ssyncset.done @!p1 $0x0  }
0x41: {  	s17 =	simm.s32 @!p0 $0x0;
	s20 =	simm.s32 @!p0 $0x2;
	[sflag:s19] =	ssyncadd.s32 @!p1 $0xFFFFF800  }
0x42: {  	[tilespmem:s17], [sflag:$0x2] =	stream.linear.gather @!p0 [hbm4b:s18+s17], $0x80, $0x38;
	[tilespmem:$0x6880] =	vst v63  }
0x43: {  	_ =	swait.ge @!p0 [sflag:s20], $0x80  }
0x44: {  	[sflag:s20] =	ssyncset.done @!p0 $0x0  }
0x45: {  	s19 =	simm.s32 @!p0 $0x1;
	s18 =	simm.s32 @!p0 $0x80;
	[sflag:s20] =	ssyncadd.s32 @!p0 $0xFFFFFF80  }
0x46: {  	[spmem:s2] =	stream.indirect.scatter.add.f32 @!p0 [tilespmem:s18], [sflag:$0x1], $0x10, s17, s18, $0xb8;
	[tilespmem:$0x6880] =	vst v63  }
0x47: {  	_ =	swait.ge @!p0 [sflag:s19], $0x800;
	p0 =	por p0, p0  }
0x48: {  	s3 =	sadd.s32 $0x1, s3;
	[sflag:s19] =	ssyncset.done @!p0 $0x0  }
0x49: {  	[sflag:s19] =	ssyncadd.s32 @!p0 $0xFFFFF800;
	p0 =	sne.s32 s3, s6  }
.Ltmp3:
0x4a: {  	[bflag:$0x0] =	sbarrier.arrive $0xFFFF;
	(pc) =	sbr.rel @p0 .LBB2_1-.Ltmp3, $4  }
0x4b: {  	[hbm:s5], [sflag:s15] =	dma.local [spmem:s16], $0x2800  }
0x4c: {  	_ =	swait.ge [sflag:s14], $0x2800  }
0x4d: {  	[sflag:s14] =	ssyncset.done $0x0  }
0x4e: {  	[sflag:s14] =	ssyncadd.s32 $0xFFFFD800  }
0x4f: {  	_ =	sfence.sel $0x180000  }
0x50: {  	[bflag:$0x0] =	sbarrier.arrive $0xFFFF  }
0x51: {  	p0 =	sne.s32 s0, $0x0;
	_ =	strace $0x90000047  }
0x52: {  	s0 =	sadd.s32 @!p0 $0x100000, s1;
	[bflag:$0x2] =	sbarrier.arrive $0xFFFF  }
0x53: {  	[sflag:s0] =	ssyncadd.tile.s32 @!p0 $0x1;
	_ =	shalt  }
.Lfunc_end2:
_tile_overlayer_lowered:
.L_overlay_start_2:
0x54: {  	(tag) =	ssettag $0x2  }
0x55: {  	s0 =	rddreg [dreg:$0x0];
	s2 =	stileid.u32  }
0x56: {  	s1 =	rddreg [dreg:$0x1];
	p0 =	sne.s32 s2, $0x0  }
0x57: {  	s3 =	rddreg [dreg:$0x2];
	[bflag:$0x3] =	sbarrier.arrive $0xFFFF;
	s2 =	simm.s32 @!p0 $0x1C01  }
0x58: {  	[timem:s3], [sflag:s2] =	dma.local @!p0 [hbm:s0], s1  }
0x59: {  	s0 =	simm.s32 @!p0 $0x1  }
0x5a: {  	_ =	swait.ge @!p0 [sflag:s0], s1  }
0x5b: {  	s1 =	ssub.s32 @!p0 $0x0, s1;
	[sflag:s0] =	ssyncset.done @!p0 $0x0  }
0x5c: {  	[sflag:s0] =	ssyncadd.s32 @!p0 s1  }
0x5d: {  	[bflag:$0x3] =	sbarrier.arrive $0xFFFF  }
0x5e: {  	_ =	shalt  }

</sc_bundles>
